<compile_context>
chip_gen: v7x
topology: tpu7x:2x2x1
jax: 0.10.2.dev20260603
libtpu: 0.0.44.dev20260713+nightly
codegen_flags: <defaults>
</compile_context>

<pallas_src>
import functools

import jax
import jax.numpy as jnp
from jax import lax
from jax.experimental import pallas as pl
from jax.experimental.pallas import tpu as pltpu
from jax.experimental.pallas import tpu_sc as plsc

N = 8192

BR = 256
SUB = 8
NSUB = BR // SUB
RS = 7936
TGRID = RS // BR
BIG = 3.0e38


def _tc_body(emb_ref, r_ref, val_ref, idx_ref, vacc_ref, iacc_ref):
    i = pl.program_id(0)

    @pl.when(i == 0)
    def _init():
        vacc_ref[...] = jnp.full((SUB, N), -1.0, jnp.float32)
        iacc_ref[...] = jnp.zeros((SUB, N), jnp.float32)

    gid0 = (i * NSUB).astype(jnp.float32)
    for k in range(NSUB):
        x = r_ref[pl.ds(k * SUB, SUB), :] * emb_ref[pl.ds(k * SUB, SUB), :]
        m = x > vacc_ref[...]
        vacc_ref[...] = jnp.where(m, x, vacc_ref[...])
        iacc_ref[...] = jnp.where(m, gid0 + float(k), iacc_ref[...])

    @pl.when(i == TGRID - 1)
    def _final():
        vacc = vacc_ref[...]
        sub = jax.lax.broadcasted_iota(jnp.int32, (SUB, N), 0)
        rowf = iacc_ref[...] * float(SUB) + sub.astype(jnp.float32)
        bmax = jnp.max(vacc, axis=0, keepdims=True)
        cand = jnp.where(vacc == bmax, rowf, BIG)
        val_ref[...] = bmax
        idx_ref[...] = jnp.min(cand, axis=0, keepdims=True)


def _tc_partial(emb_t, r_embedding):
    return pl.pallas_call(
        _tc_body,
        grid=(TGRID,),
        in_specs=[
            pl.BlockSpec((BR, 1), lambda i: (i, 0)),
            pl.BlockSpec((BR, N), lambda i: (i, 0)),
        ],
        out_specs=[
            pl.BlockSpec((1, N), lambda i: (0, 0)),
            pl.BlockSpec((1, N), lambda i: (0, 0)),
        ],
        out_shape=[
            jax.ShapeDtypeStruct((1, N), jnp.float32),
            jax.ShapeDtypeStruct((1, N), jnp.float32),
        ],
        scratch_shapes=[
            pltpu.VMEM((SUB, N), jnp.float32),
            pltpu.VMEM((SUB, N), jnp.float32),
        ],
    )(emb_t, r_embedding)


NWORK = 32
WCOLS = N // NWORK
NV = WCOLS // 16
CH = 128
SCROWS = N - RS
NCHUNK = SCROWS // CH
NT = NCHUNK // 2

_mesh = plsc.VectorSubcoreMesh(core_axis_name="c", subcore_axis_name="s")


def _compute_chunk(rbuf, ebuf, base_row, accs):
    def row_body(r, accs):
        eb = ebuf[r, :]
        rowi = jnp.full((16,), base_row + r, jnp.int32)
        new = []
        for v in range(NV):
            x = rbuf[r, pl.ds(v * 16, 16)] * eb
            av = accs[2 * v]
            ai = accs[2 * v + 1]
            m = x > av
            new.append(jnp.where(m, x, av))
            new.append(jnp.where(m, rowi, ai))
        return tuple(new)

    return lax.fori_loop(0, CH, row_body, accs)


@functools.partial(
    pl.kernel,
    mesh=_mesh,
    out_type=[
        jax.ShapeDtypeStruct((N,), jnp.float32),
        jax.ShapeDtypeStruct((N,), jnp.float32),
    ],
    scratch_types=[
        pltpu.VMEM((CH, WCOLS), jnp.float32),
        pltpu.VMEM((CH, WCOLS), jnp.float32),
        pltpu.VMEM((CH, 16), jnp.float32),
        pltpu.VMEM((CH, 16), jnp.float32),
        pltpu.VMEM((WCOLS,), jnp.float32),
        pltpu.VMEM((WCOLS,), jnp.float32),
        pltpu.SemaphoreType.DMA,
        pltpu.SemaphoreType.DMA,
        pltpu.SemaphoreType.DMA,
        pltpu.SemaphoreType.DMA,
    ],
)
def _sc_partial(r_hbm, embb_hbm, val_hbm, idx_hbm,
                rb0, rb1, eb0, eb1, oval, oidx, s0, s1, s2, s3):
    wid = lax.axis_index("s") * 2 + lax.axis_index("c")
    c0 = wid * WCOLS

    pltpu.async_copy(r_hbm.at[pl.ds(RS, CH), pl.ds(c0, WCOLS)], rb0, s0)
    pltpu.async_copy(embb_hbm.at[pl.ds(RS, CH), :], eb0, s2)

    accs = []
    for _ in range(NV):
        accs.append(jnp.full((16,), -1.0, jnp.float32))
        accs.append(jnp.zeros((16,), jnp.int32))
    accs = tuple(accs)

    def tbody(t, accs):
        ra = RS + 2 * t * CH
        rb = ra + CH
        pltpu.async_copy(r_hbm.at[pl.ds(rb, CH), pl.ds(c0, WCOLS)], rb1, s1)
        pltpu.async_copy(embb_hbm.at[pl.ds(rb, CH), :], eb1, s3)
        pltpu.make_async_copy(r_hbm.at[pl.ds(RS, CH), pl.ds(c0, WCOLS)], rb0, s0).wait()
        pltpu.make_async_copy(embb_hbm.at[pl.ds(RS, CH), :], eb0, s2).wait()
        accs = _compute_chunk(rb0, eb0, ra, accs)

        @pl.when(t + 1 < NT)
        def _prefetch():
            nxt = ra + 2 * CH
            pltpu.async_copy(r_hbm.at[pl.ds(nxt, CH), pl.ds(c0, WCOLS)], rb0, s0)
            pltpu.async_copy(embb_hbm.at[pl.ds(nxt, CH), :], eb0, s2)

        pltpu.make_async_copy(r_hbm.at[pl.ds(RS, CH), pl.ds(c0, WCOLS)], rb1, s1).wait()
        pltpu.make_async_copy(embb_hbm.at[pl.ds(RS, CH), :], eb1, s3).wait()
        accs = _compute_chunk(rb1, eb1, rb, accs)
        return accs

    accs = lax.fori_loop(0, NT, tbody, accs)

    for v in range(NV):
        oval[pl.ds(v * 16, 16)] = accs[2 * v]
        oidx[pl.ds(v * 16, 16)] = accs[2 * v + 1].astype(jnp.float32)
    pltpu.sync_copy(oval, val_hbm.at[pl.ds(c0, WCOLS)])
    pltpu.sync_copy(oidx, idx_hbm.at[pl.ds(c0, WCOLS)])


def _merge_body(vt_ref, it_ref, vs_ref, is_ref, val_ref, idx_ref):
    vt = vt_ref[...]
    vs = vs_ref[...]
    m = vs > vt
    val = jnp.where(m, vs, vt)
    idx = jnp.where(m, is_ref[...], it_ref[...])
    val_ref[...] = val
    idx_ref[...] = jnp.where(val > 0.0, idx, 0.0)


def _merge(vt, it, vs, is_):
    return pl.pallas_call(
        _merge_body,
        out_shape=[
            jax.ShapeDtypeStruct((1, N), jnp.float32),
            jax.ShapeDtypeStruct((1, N), jnp.float32),
        ],
    )(vt, it, vs, is_)


def kernel(embedding, r_embedding):
    emb_t = embedding.reshape(N, 1)
    embb = jnp.broadcast_to(emb_t, (N, 16))
    vt, it = _tc_partial(emb_t, r_embedding)
    vs, is_ = _sc_partial(r_embedding, embb)
    val, idx = _merge(vt, it, vs.reshape(1, N), is_.reshape(1, N))
    return val, idx.reshape(N)

# --- scband reference (transcript-rebuilt; emitter-appended) ---
"""Pipeline reference for scband-kgreasoning-3212635537979 (READ-ONLY COPY).

The authoritative reference and input builder live on the scoring server;
editing this copy changes nothing except your own understanding.
"""

import jax, jax.numpy as jnp
import numpy as np

NENTITY = 8192
FRACTION = 16


def setup_inputs(seed: int = 0) -> dict:
    key = jax.random.key(seed)
    k1, k2 = jax.random.split(key)
    embedding = jax.random.uniform(k1, (1, NENTITY), dtype=jnp.float32)
    r_embedding = jax.random.uniform(k2, (NENTITY, NENTITY), dtype=jnp.float32)
    # emulate thresholded neural adjacency matrix (mostly sparse, values in [0,1))
    r_embedding = jnp.where(r_embedding > 0.99, r_embedding, 0.0)
    return {"embedding": embedding, "r_embedding": r_embedding}


def reference(embedding, r_embedding):
    # Faithful port of KGReasoning.relation_projection (is_neg=False).
    # Fuzzy-set relation projection: new_emb[t] = max_h emb[h] * R[h, t],
    # computed in FRACTION row-chunks of the relation adjacency matrix,
    # tracking the argmax source entity per target (r_argmax).
    dim = NENTITY // FRACTION
    new_embedding = jnp.zeros_like(embedding)
    r_argmax = jnp.zeros((NENTITY,), dtype=jnp.float32)
    for i in range(FRACTION):
        s = i * dim
        t = (i + 1) * dim
        fraction_embedding = embedding[:, s:t]                      # [1, dim]
        fraction_r_embedding = r_embedding[s:t, :][None, :, :]      # [1, dim, NENTITY]
        premax = fraction_r_embedding * fraction_embedding[:, :, None]  # [1, dim, NENTITY]
        fraction_val = jnp.max(premax, axis=1)                      # [1, NENTITY]
        tmp_argmax = (jnp.argmax(premax, axis=1)[0] + s).astype(jnp.float32)  # [NENTITY]
        new_argmax = (fraction_val[0] > new_embedding[0]).astype(jnp.float32)
        r_argmax = new_argmax * tmp_argmax + (1.0 - new_argmax) * r_argmax
        new_embedding = jnp.maximum(new_embedding, fraction_val)
    return new_embedding, r_argmax

if __name__ == "__main__":
    import jax
    _d = setup_inputs()
    print(jax.jit(kernel)(*tuple(_d.values())))

</pallas_src>

<mosaic_0001>
#map = affine_map<(d0, d1) -> (0, 0)>
#map1 = affine_map<(d0, d1) -> (0)>
module attributes {stable_mosaic.version = 14 : i64} {
  func.func @_sc_partial(%arg0: i32, %arg1: i32, %arg2: memref<8192x8192xf32, #tpu.memory_space<hbm>>, %arg3: memref<8192x16xf32, #tpu.memory_space<hbm>>, %arg4: memref<8192xf32, #tpu.memory_space<hbm>>, %arg5: memref<8192xf32, #tpu.memory_space<hbm>>, %arg6: memref<128x256xf32, #tpu.memory_space<vmem>>, %arg7: memref<128x256xf32, #tpu.memory_space<vmem>>, %arg8: memref<128x16xf32, #tpu.memory_space<vmem>>, %arg9: memref<128x16xf32, #tpu.memory_space<vmem>>, %arg10: memref<256xf32, #tpu.memory_space<vmem>>, %arg11: memref<256xf32, #tpu.memory_space<vmem>>, %arg12: memref<!tpu.dma_semaphore, #tpu.memory_space<semaphore_mem>>, %arg13: memref<!tpu.dma_semaphore, #tpu.memory_space<semaphore_mem>>, %arg14: memref<!tpu.dma_semaphore, #tpu.memory_space<semaphore_mem>>, %arg15: memref<!tpu.dma_semaphore, #tpu.memory_space<semaphore_mem>>) attributes {dimension_semantics = [#tpu.dimension_semantics<core_parallel>, #tpu.dimension_semantics<subcore_parallel>], iteration_bounds = array<i64: 2, 16>, scalar_prefetch = 0 : i64, scratch_operands = 10 : i64, tpu.core_type = #tpu.core_type<sc_vector_subcore>, window_params = [{transform_indices = #map}, {transform_indices = #map}, {transform_indices = #map1}, {transform_indices = #map1}]} {
    %mul3A = arith.constant 2 : i32
    %mul3A_0 = arith.muli %arg1, %mul3A : i32
    %add3A = arith.addi %mul3A_0, %arg0 : i32
    %mul3A_1 = arith.constant 256 : i32
    %mul3A_2 = arith.muli %add3A, %mul3A_1 : i32
    %dma_start3A = arith.constant 7936 : i32
    %dma_start3A_3 = tpu.memref_slice %arg2[%dma_start3A, %mul3A_2] : memref<8192x8192xf32, #tpu.memory_space<hbm>> -> memref<128x256xf32, #tpu.memory_space<hbm>>
    %dma_start3A_4 = arith.constant 7936 : i32
    %dma_start3A_5 = tpu.memref_slice %arg2[%dma_start3A_4, %mul3A_2] : memref<8192x8192xf32, #tpu.memory_space<hbm>> -> memref<128x256xf32, #tpu.memory_space<hbm>>
    tpu.enqueue_dma source(%dma_start3A_5 : memref<128x256xf32, #tpu.memory_space<hbm>>) target(%arg6 : memref<128x256xf32, #tpu.memory_space<vmem>>) target_semaphore(%arg12 : memref<!tpu.dma_semaphore, #tpu.memory_space<semaphore_mem>>)
    %dma_start3A_6 = arith.constant 7936 : i32
    %dma_start3A_7 = arith.constant 0 : i32
    %dma_start3A_8 = tpu.memref_slice %arg3[%dma_start3A_6, %dma_start3A_7] : memref<8192x16xf32, #tpu.memory_space<hbm>> -> memref<128x16xf32, #tpu.memory_space<hbm>>
    %dma_start3A_9 = arith.constant 7936 : i32
    %dma_start3A_10 = arith.constant 0 : i32
    %dma_start3A_11 = tpu.memref_slice %arg3[%dma_start3A_9, %dma_start3A_10] : memref<8192x16xf32, #tpu.memory_space<hbm>> -> memref<128x16xf32, #tpu.memory_space<hbm>>
    tpu.enqueue_dma source(%dma_start3A_11 : memref<128x16xf32, #tpu.memory_space<hbm>>) target(%arg8 : memref<128x16xf32, #tpu.memory_space<vmem>>) target_semaphore(%arg14 : memref<!tpu.dma_semaphore, #tpu.memory_space<semaphore_mem>>)
    %broadcast_in_dim3A = arith.constant -1.000000e+00 : f32
    %broadcast_in_dim3A_12 = vector.broadcast %broadcast_in_dim3A : f32 to vector<16xf32>
    %broadcast_in_dim3A_13 = arith.constant 0 : i32
    %broadcast_in_dim3A_14 = vector.broadcast %broadcast_in_dim3A_13 : i32 to vector<16xi32>
    %broadcast_in_dim3A_15 = arith.constant -1.000000e+00 : f32
    %broadcast_in_dim3A_16 = vector.broadcast %broadcast_in_dim3A_15 : f32 to vector<16xf32>
    %broadcast_in_dim3A_17 = arith.constant 0 : i32
    %broadcast_in_dim3A_18 = vector.broadcast %broadcast_in_dim3A_17 : i32 to vector<16xi32>
    %broadcast_in_dim3A_19 = arith.constant -1.000000e+00 : f32
    %broadcast_in_dim3A_20 = vector.broadcast %broadcast_in_dim3A_19 : f32 to vector<16xf32>
    %broadcast_in_dim3A_21 = arith.constant 0 : i32
    %broadcast_in_dim3A_22 = vector.broadcast %broadcast_in_dim3A_21 : i32 to vector<16xi32>
    %broadcast_in_dim3A_23 = arith.constant -1.000000e+00 : f32
    %broadcast_in_dim3A_24 = vector.broadcast %broadcast_in_dim3A_23 : f32 to vector<16xf32>
    %broadcast_in_dim3A_25 = arith.constant 0 : i32
    %broadcast_in_dim3A_26 = vector.broadcast %broadcast_in_dim3A_25 : i32 to vector<16xi32>
    %broadcast_in_dim3A_27 = arith.constant -1.000000e+00 : f32
    %broadcast_in_dim3A_28 = vector.broadcast %broadcast_in_dim3A_27 : f32 to vector<16xf32>
    %broadcast_in_dim3A_29 = arith.constant 0 : i32
    %broadcast_in_dim3A_30 = vector.broadcast %broadcast_in_dim3A_29 : i32 to vector<16xi32>
    %broadcast_in_dim3A_31 = arith.constant -1.000000e+00 : f32
    %broadcast_in_dim3A_32 = vector.broadcast %broadcast_in_dim3A_31 : f32 to vector<16xf32>
    %broadcast_in_dim3A_33 = arith.constant 0 : i32
    %broadcast_in_dim3A_34 = vector.broadcast %broadcast_in_dim3A_33 : i32 to vector<16xi32>
    %broadcast_in_dim3A_35 = arith.constant -1.000000e+00 : f32
    %broadcast_in_dim3A_36 = vector.broadcast %broadcast_in_dim3A_35 : f32 to vector<16xf32>
    %broadcast_in_dim3A_37 = arith.constant 0 : i32
    %broadcast_in_dim3A_38 = vector.broadcast %broadcast_in_dim3A_37 : i32 to vector<16xi32>
    %broadcast_in_dim3A_39 = arith.constant -1.000000e+00 : f32
    %broadcast_in_dim3A_40 = vector.broadcast %broadcast_in_dim3A_39 : f32 to vector<16xf32>
    %broadcast_in_dim3A_41 = arith.constant 0 : i32
    %broadcast_in_dim3A_42 = vector.broadcast %broadcast_in_dim3A_41 : i32 to vector<16xi32>
    %broadcast_in_dim3A_43 = arith.constant -1.000000e+00 : f32
    %broadcast_in_dim3A_44 = vector.broadcast %broadcast_in_dim3A_43 : f32 to vector<16xf32>
    %broadcast_in_dim3A_45 = arith.constant 0 : i32
    %broadcast_in_dim3A_46 = vector.broadcast %broadcast_in_dim3A_45 : i32 to vector<16xi32>
    %broadcast_in_dim3A_47 = arith.constant -1.000000e+00 : f32
    %broadcast_in_dim3A_48 = vector.broadcast %broadcast_in_dim3A_47 : f32 to vector<16xf32>
    %broadcast_in_dim3A_49 = arith.constant 0 : i32
    %broadcast_in_dim3A_50 = vector.broadcast %broadcast_in_dim3A_49 : i32 to vector<16xi32>
    %broadcast_in_dim3A_51 = arith.constant -1.000000e+00 : f32
    %broadcast_in_dim3A_52 = vector.broadcast %broadcast_in_dim3A_51 : f32 to vector<16xf32>
    %broadcast_in_dim3A_53 = arith.constant 0 : i32
    %broadcast_in_dim3A_54 = vector.broadcast %broadcast_in_dim3A_53 : i32 to vector<16xi32>
    %broadcast_in_dim3A_55 = arith.constant -1.000000e+00 : f32
    %broadcast_in_dim3A_56 = vector.broadcast %broadcast_in_dim3A_55 : f32 to vector<16xf32>
    %broadcast_in_dim3A_57 = arith.constant 0 : i32
    %broadcast_in_dim3A_58 = vector.broadcast %broadcast_in_dim3A_57 : i32 to vector<16xi32>
    %broadcast_in_dim3A_59 = arith.constant -1.000000e+00 : f32
    %broadcast_in_dim3A_60 = vector.broadcast %broadcast_in_dim3A_59 : f32 to vector<16xf32>
    %broadcast_in_dim3A_61 = arith.constant 0 : i32
    %broadcast_in_dim3A_62 = vector.broadcast %broadcast_in_dim3A_61 : i32 to vector<16xi32>
    %broadcast_in_dim3A_63 = arith.constant -1.000000e+00 : f32
    %broadcast_in_dim3A_64 = vector.broadcast %broadcast_in_dim3A_63 : f32 to vector<16xf32>
    %broadcast_in_dim3A_65 = arith.constant 0 : i32
    %broadcast_in_dim3A_66 = vector.broadcast %broadcast_in_dim3A_65 : i32 to vector<16xi32>
    %broadcast_in_dim3A_67 = arith.constant -1.000000e+00 : f32
    %broadcast_in_dim3A_68 = vector.broadcast %broadcast_in_dim3A_67 : f32 to vector<16xf32>
    %broadcast_in_dim3A_69 = arith.constant 0 : i32
    %broadcast_in_dim3A_70 = vector.broadcast %broadcast_in_dim3A_69 : i32 to vector<16xi32>
    %broadcast_in_dim3A_71 = arith.constant -1.000000e+00 : f32
    %broadcast_in_dim3A_72 = vector.broadcast %broadcast_in_dim3A_71 : f32 to vector<16xf32>
    %broadcast_in_dim3A_73 = arith.constant 0 : i32
    %broadcast_in_dim3A_74 = vector.broadcast %broadcast_in_dim3A_73 : i32 to vector<16xi32>
    %scan3A = arith.constant 0 : i32
    %mul3A_75 = arith.constant 2 : i32
    %mul3A_76 = arith.muli %mul3A_75, %scan3A : i32
    %mul3A_77 = arith.constant 128 : i32
    %mul3A_78 = arith.muli %mul3A_76, %mul3A_77 : i32
    %add3A_79 = arith.constant 7936 : i32
    %add3A_80 = arith.addi %add3A_79, %mul3A_78 : i32
    %add3A_81 = arith.constant 128 : i32
    %add3A_82 = arith.addi %add3A_80, %add3A_81 : i32
    %dma_start3A_83 = tpu.memref_slice %arg2[%add3A_82, %mul3A_2] : memref<8192x8192xf32, #tpu.memory_space<hbm>> -> memref<128x256xf32, #tpu.memory_space<hbm>>
    %dma_start3A_84 = tpu.memref_slice %arg2[%add3A_82, %mul3A_2] : memref<8192x8192xf32, #tpu.memory_space<hbm>> -> memref<128x256xf32, #tpu.memory_space<hbm>>
    tpu.enqueue_dma source(%dma_start3A_84 : memref<128x256xf32, #tpu.memory_space<hbm>>) target(%arg7 : memref<128x256xf32, #tpu.memory_space<vmem>>) target_semaphore(%arg13 : memref<!tpu.dma_semaphore, #tpu.memory_space<semaphore_mem>>)
    %dma_start3A_85 = arith.constant 0 : i32
    %dma_start3A_86 = tpu.memref_slice %arg3[%add3A_82, %dma_start3A_85] : memref<8192x16xf32, #tpu.memory_space<hbm>> -> memref<128x16xf32, #tpu.memory_space<hbm>>
    %dma_start3A_87 = arith.constant 0 : i32
    %dma_start3A_88 = tpu.memref_slice %arg3[%add3A_82, %dma_start3A_87] : memref<8192x16xf32, #tpu.memory_space<hbm>> -> memref<128x16xf32, #tpu.memory_space<hbm>>
    tpu.enqueue_dma source(%dma_start3A_88 : memref<128x16xf32, #tpu.memory_space<hbm>>) target(%arg9 : memref<128x16xf32, #tpu.memory_space<vmem>>) target_semaphore(%arg15 : memref<!tpu.dma_semaphore, #tpu.memory_space<semaphore_mem>>)
    %dma_wait3A = arith.constant 7936 : i32
    %dma_wait3A_89 = tpu.memref_slice %arg2[%dma_wait3A, %mul3A_2] : memref<8192x8192xf32, #tpu.memory_space<hbm>> -> memref<128x256xf32, #tpu.memory_space<hbm>>
    %dma_wait3A_90 = arith.constant 7936 : i32
    %dma_wait3A_91 = tpu.memref_slice %arg2[%dma_wait3A_90, %mul3A_2] : memref<8192x8192xf32, #tpu.memory_space<hbm>> -> memref<128x256xf32, #tpu.memory_space<hbm>>
    tpu.wait_dma2 semaphore(%arg12 : memref<!tpu.dma_semaphore, #tpu.memory_space<semaphore_mem>>) src(%dma_wait3A_91 : memref<128x256xf32, #tpu.memory_space<hbm>>) dst(%arg6 : memref<128x256xf32, #tpu.memory_space<vmem>>)
    %dma_wait3A_92 = arith.constant 7936 : i32
    %dma_wait3A_93 = arith.constant 0 : i32
    %dma_wait3A_94 = tpu.memref_slice %arg3[%dma_wait3A_92, %dma_wait3A_93] : memref<8192x16xf32, #tpu.memory_space<hbm>> -> memref<128x16xf32, #tpu.memory_space<hbm>>
    %dma_wait3A_95 = arith.constant 7936 : i32
    %dma_wait3A_96 = arith.constant 0 : i32
    %dma_wait3A_97 = tpu.memref_slice %arg3[%dma_wait3A_95, %dma_wait3A_96] : memref<8192x16xf32, #tpu.memory_space<hbm>> -> memref<128x16xf32, #tpu.memory_space<hbm>>
    tpu.wait_dma2 semaphore(%arg14 : memref<!tpu.dma_semaphore, #tpu.memory_space<semaphore_mem>>) src(%dma_wait3A_97 : memref<128x16xf32, #tpu.memory_space<hbm>>) dst(%arg8 : memref<128x16xf32, #tpu.memory_space<vmem>>)
    %scan3A_98 = arith.constant 0 : i32
    %scan3A_99 = arith.constant 128 : i32
    %scan3A_100 = arith.addi %scan3A_98, %scan3A_99 : i32
    %scan3A_101 = arith.constant 1 : i32
    %scan3A_102:32 = scf.for %scan3A_268 = %scan3A_98 to %scan3A_100 step %scan3A_101 iter_args(%scan3A_269 = %broadcast_in_dim3A_12, %scan3A_270 = %broadcast_in_dim3A_14, %scan3A_271 = %broadcast_in_dim3A_16, %scan3A_272 = %broadcast_in_dim3A_18, %scan3A_273 = %broadcast_in_dim3A_20, %scan3A_274 = %broadcast_in_dim3A_22, %scan3A_275 = %broadcast_in_dim3A_24, %scan3A_276 = %broadcast_in_dim3A_26, %scan3A_277 = %broadcast_in_dim3A_28, %scan3A_278 = %broadcast_in_dim3A_30, %scan3A_279 = %broadcast_in_dim3A_32, %scan3A_280 = %broadcast_in_dim3A_34, %scan3A_281 = %broadcast_in_dim3A_36, %scan3A_282 = %broadcast_in_dim3A_38, %scan3A_283 = %broadcast_in_dim3A_40, %scan3A_284 = %broadcast_in_dim3A_42, %scan3A_285 = %broadcast_in_dim3A_44, %scan3A_286 = %broadcast_in_dim3A_46, %scan3A_287 = %broadcast_in_dim3A_48, %scan3A_288 = %broadcast_in_dim3A_50, %scan3A_289 = %broadcast_in_dim3A_52, %scan3A_290 = %broadcast_in_dim3A_54, %scan3A_291 = %broadcast_in_dim3A_56, %scan3A_292 = %broadcast_in_dim3A_58, %scan3A_293 = %broadcast_in_dim3A_60, %scan3A_294 = %broadcast_in_dim3A_62, %scan3A_295 = %broadcast_in_dim3A_64, %scan3A_296 = %broadcast_in_dim3A_66, %scan3A_297 = %broadcast_in_dim3A_68, %scan3A_298 = %broadcast_in_dim3A_70, %scan3A_299 = %broadcast_in_dim3A_72, %scan3A_300 = %broadcast_in_dim3A_74) -> (vector<16xf32>, vector<16xi32>, vector<16xf32>, vector<16xi32>, vector<16xf32>, vector<16xi32>, vector<16xf32>, vector<16xi32>, vector<16xf32>, vector<16xi32>, vector<16xf32>, vector<16xi32>, vector<16xf32>, vector<16xi32>, vector<16xf32>, vector<16xi32>, vector<16xf32>, vector<16xi32>, vector<16xf32>, vector<16xi32>, vector<16xf32>, vector<16xi32>, vector<16xf32>, vector<16xi32>, vector<16xf32>, vector<16xi32>, vector<16xf32>, vector<16xi32>, vector<16xf32>, vector<16xi32>, vector<16xf32>, vector<16xi32>)  : i32 {
      %get3A = arith.index_cast %scan3A_268 : i32 to index
      %get3A_301 = arith.constant 0 : index
      %get3A_302 = tpu.vector_load %arg8[%get3A, %get3A_301] {strides = array<i32>} : memref<128x16xf32, #tpu.memory_space<vmem>>, vector<1x16xf32>,
      %get3A_303 = vector.shape_cast %get3A_302 : vector<1x16xf32> to vector<16xf32>
      %add3A_304 = arith.addi %add3A_80, %scan3A_268 : i32
      %broadcast_in_dim3A_305 = vector.broadcast %add3A_304 : i32 to vector<16xi32>
      %get3A_306 = arith.index_cast %scan3A_268 : i32 to index
      %get3A_307 = arith.constant 0 : index
      %get3A_308 = tpu.vector_load %arg6[%get3A_306, %get3A_307] {strides = array<i32>} : memref<128x256xf32, #tpu.memory_space<vmem>>, vector<1x16xf32>,
      %get3A_309 = vector.shape_cast %get3A_308 : vector<1x16xf32> to vector<16xf32>
      %mul3A_310 = arith.mulf %get3A_309, %get3A_303 : vector<16xf32>
      %gt3A = arith.cmpf ogt, %mul3A_310, %scan3A_269 : vector<16xf32>
      %select_n3A = arith.select %gt3A, %mul3A_310, %scan3A_269 : vector<16xi1>, vector<16xf32>
      %select_n3A_311 = arith.select %gt3A, %broadcast_in_dim3A_305, %scan3A_270 : vector<16xi1>, vector<16xi32>
      %get3A_312 = arith.index_cast %scan3A_268 : i32 to index
      %get3A_313 = arith.constant 16 : index
      %get3A_314 = tpu.vector_load %arg6[%get3A_312, %get3A_313] {strides = array<i32>} : memref<128x256xf32, #tpu.memory_space<vmem>>, vector<1x16xf32>,
      %get3A_315 = vector.shape_cast %get3A_314 : vector<1x16xf32> to vector<16xf32>
      %mul3A_316 = arith.mulf %get3A_315, %get3A_303 : vector<16xf32>
      %gt3A_317 = arith.cmpf ogt, %mul3A_316, %scan3A_271 : vector<16xf32>
      %select_n3A_318 = arith.select %gt3A_317, %mul3A_316, %scan3A_271 : vector<16xi1>, vector<16xf32>
      %select_n3A_319 = arith.select %gt3A_317, %broadcast_in_dim3A_305, %scan3A_272 : vector<16xi1>, vector<16xi32>
      %get3A_320 = arith.index_cast %scan3A_268 : i32 to index
      %get3A_321 = arith.constant 32 : index
      %get3A_322 = tpu.vector_load %arg6[%get3A_320, %get3A_321] {strides = array<i32>} : memref<128x256xf32, #tpu.memory_space<vmem>>, vector<1x16xf32>,
      %get3A_323 = vector.shape_cast %get3A_322 : vector<1x16xf32> to vector<16xf32>
      %mul3A_324 = arith.mulf %get3A_323, %get3A_303 : vector<16xf32>
      %gt3A_325 = arith.cmpf ogt, %mul3A_324, %scan3A_273 : vector<16xf32>
      %select_n3A_326 = arith.select %gt3A_325, %mul3A_324, %scan3A_273 : vector<16xi1>, vector<16xf32>
      %select_n3A_327 = arith.select %gt3A_325, %broadcast_in_dim3A_305, %scan3A_274 : vector<16xi1>, vector<16xi32>
      %get3A_328 = arith.index_cast %scan3A_268 : i32 to index
      %get3A_329 = arith.constant 48 : index
      %get3A_330 = tpu.vector_load %arg6[%get3A_328, %get3A_329] {strides = array<i32>} : memref<128x256xf32, #tpu.memory_space<vmem>>, vector<1x16xf32>,
      %get3A_331 = vector.shape_cast %get3A_330 : vector<1x16xf32> to vector<16xf32>
      %mul3A_332 = arith.mulf %get3A_331, %get3A_303 : vector<16xf32>
      %gt3A_333 = arith.cmpf ogt, %mul3A_332, %scan3A_275 : vector<16xf32>
      %select_n3A_334 = arith.select %gt3A_333, %mul3A_332, %scan3A_275 : vector<16xi1>, vector<16xf32>
      %select_n3A_335 = arith.select %gt3A_333, %broadcast_in_dim3A_305, %scan3A_276 : vector<16xi1>, vector<16xi32>
      %get3A_336 = arith.index_cast %scan3A_268 : i32 to index
      %get3A_337 = arith.constant 64 : index
      %get3A_338 = tpu.vector_load %arg6[%get3A_336, %get3A_337] {strides = array<i32>} : memref<128x256xf32, #tpu.memory_space<vmem>>, vector<1x16xf32>,
      %get3A_339 = vector.shape_cast %get3A_338 : vector<1x16xf32> to vector<16xf32>
      %mul3A_340 = arith.mulf %get3A_339, %get3A_303 : vector<16xf32>
      %gt3A_341 = arith.cmpf ogt, %mul3A_340, %scan3A_277 : vector<16xf32>
      %select_n3A_342 = arith.select %gt3A_341, %mul3A_340, %scan3A_277 : vector<16xi1>, vector<16xf32>
      %select_n3A_343 = arith.select %gt3A_341, %broadcast_in_dim3A_305, %scan3A_278 : vector<16xi1>, vector<16xi32>
      %get3A_344 = arith.index_cast %scan3A_268 : i32 to index
      %get3A_345 = arith.constant 80 : index
      %get3A_346 = tpu.vector_load %arg6[%get3A_344, %get3A_345] {strides = array<i32>} : memref<128x256xf32, #tpu.memory_space<vmem>>, vector<1x16xf32>,
      %get3A_347 = vector.shape_cast %get3A_346 : vector<1x16xf32> to vector<16xf32>
      %mul3A_348 = arith.mulf %get3A_347, %get3A_303 : vector<16xf32>
      %gt3A_349 = arith.cmpf ogt, %mul3A_348, %scan3A_279 : vector<16xf32>
      %select_n3A_350 = arith.select %gt3A_349, %mul3A_348, %scan3A_279 : vector<16xi1>, vector<16xf32>
      %select_n3A_351 = arith.select %gt3A_349, %broadcast_in_dim3A_305, %scan3A_280 : vector<16xi1>, vector<16xi32>
      %get3A_352 = arith.index_cast %scan3A_268 : i32 to index
      %get3A_353 = arith.constant 96 : index
      %get3A_354 = tpu.vector_load %arg6[%get3A_352, %get3A_353] {strides = array<i32>} : memref<128x256xf32, #tpu.memory_space<vmem>>, vector<1x16xf32>,
      %get3A_355 = vector.shape_cast %get3A_354 : vector<1x16xf32> to vector<16xf32>
      %mul3A_356 = arith.mulf %get3A_355, %get3A_303 : vector<16xf32>
      %gt3A_357 = arith.cmpf ogt, %mul3A_356, %scan3A_281 : vector<16xf32>
      %select_n3A_358 = arith.select %gt3A_357, %mul3A_356, %scan3A_281 : vector<16xi1>, vector<16xf32>
      %select_n3A_359 = arith.select %gt3A_357, %broadcast_in_dim3A_305, %scan3A_282 : vector<16xi1>, vector<16xi32>
      %get3A_360 = arith.index_cast %scan3A_268 : i32 to index
      %get3A_361 = arith.constant 112 : index
      %get3A_362 = tpu.vector_load %arg6[%get3A_360, %get3A_361] {strides = array<i32>} : memref<128x256xf32, #tpu.memory_space<vmem>>, vector<1x16xf32>,
      %get3A_363 = vector.shape_cast %get3A_362 : vector<1x16xf32> to vector<16xf32>
      %mul3A_364 = arith.mulf %get3A_363, %get3A_303 : vector<16xf32>
      %gt3A_365 = arith.cmpf ogt, %mul3A_364, %scan3A_283 : vector<16xf32>
      %select_n3A_366 = arith.select %gt3A_365, %mul3A_364, %scan3A_283 : vector<16xi1>, vector<16xf32>
      %select_n3A_367 = arith.select %gt3A_365, %broadcast_in_dim3A_305, %scan3A_284 : vector<16xi1>, vector<16xi32>
      %get3A_368 = arith.index_cast %scan3A_268 : i32 to index
      %get3A_369 = arith.constant 128 : index
      %get3A_370 = tpu.vector_load %arg6[%get3A_368, %get3A_369] {strides = array<i32>} : memref<128x256xf32, #tpu.memory_space<vmem>>, vector<1x16xf32>,
      %get3A_371 = vector.shape_cast %get3A_370 : vector<1x16xf32> to vector<16xf32>
      %mul3A_372 = arith.mulf %get3A_371, %get3A_303 : vector<16xf32>
      %gt3A_373 = arith.cmpf ogt, %mul3A_372, %scan3A_285 : vector<16xf32>
      %select_n3A_374 = arith.select %gt3A_373, %mul3A_372, %scan3A_285 : vector<16xi1>, vector<16xf32>
      %select_n3A_375 = arith.select %gt3A_373, %broadcast_in_dim3A_305, %scan3A_286 : vector<16xi1>, vector<16xi32>
      %get3A_376 = arith.index_cast %scan3A_268 : i32 to index
      %get3A_377 = arith.constant 144 : index
      %get3A_378 = tpu.vector_load %arg6[%get3A_376, %get3A_377] {strides = array<i32>} : memref<128x256xf32, #tpu.memory_space<vmem>>, vector<1x16xf32>,
      %get3A_379 = vector.shape_cast %get3A_378 : vector<1x16xf32> to vector<16xf32>
      %mul3A_380 = arith.mulf %get3A_379, %get3A_303 : vector<16xf32>
      %gt3A_381 = arith.cmpf ogt, %mul3A_380, %scan3A_287 : vector<16xf32>
      %select_n3A_382 = arith.select %gt3A_381, %mul3A_380, %scan3A_287 : vector<16xi1>, vector<16xf32>
      %select_n3A_383 = arith.select %gt3A_381, %broadcast_in_dim3A_305, %scan3A_288 : vector<16xi1>, vector<16xi32>
      %get3A_384 = arith.index_cast %scan3A_268 : i32 to index
      %get3A_385 = arith.constant 160 : index
      %get3A_386 = tpu.vector_load %arg6[%get3A_384, %get3A_385] {strides = array<i32>} : memref<128x256xf32, #tpu.memory_space<vmem>>, vector<1x16xf32>,
      %get3A_387 = vector.shape_cast %get3A_386 : vector<1x16xf32> to vector<16xf32>
      %mul3A_388 = arith.mulf %get3A_387, %get3A_303 : vector<16xf32>
      %gt3A_389 = arith.cmpf ogt, %mul3A_388, %scan3A_289 : vector<16xf32>
      %select_n3A_390 = arith.select %gt3A_389, %mul3A_388, %scan3A_289 : vector<16xi1>, vector<16xf32>
      %select_n3A_391 = arith.select %gt3A_389, %broadcast_in_dim3A_305, %scan3A_290 : vector<16xi1>, vector<16xi32>
      %get3A_392 = arith.index_cast %scan3A_268 : i32 to index
      %get3A_393 = arith.constant 176 : index
      %get3A_394 = tpu.vector_load %arg6[%get3A_392, %get3A_393] {strides = array<i32>} : memref<128x256xf32, #tpu.memory_space<vmem>>, vector<1x16xf32>,
      %get3A_395 = vector.shape_cast %get3A_394 : vector<1x16xf32> to vector<16xf32>
      %mul3A_396 = arith.mulf %get3A_395, %get3A_303 : vector<16xf32>
      %gt3A_397 = arith.cmpf ogt, %mul3A_396, %scan3A_291 : vector<16xf32>
      %select_n3A_398 = arith.select %gt3A_397, %mul3A_396, %scan3A_291 : vector<16xi1>, vector<16xf32>
      %select_n3A_399 = arith.select %gt3A_397, %broadcast_in_dim3A_305, %scan3A_292 : vector<16xi1>, vector<16xi32>
      %get3A_400 = arith.index_cast %scan3A_268 : i32 to index
      %get3A_401 = arith.constant 192 : index
      %get3A_402 = tpu.vector_load %arg6[%get3A_400, %get3A_401] {strides = array<i32>} : memref<128x256xf32, #tpu.memory_space<vmem>>, vector<1x16xf32>,
      %get3A_403 = vector.shape_cast %get3A_402 : vector<1x16xf32> to vector<16xf32>
      %mul3A_404 = arith.mulf %get3A_403, %get3A_303 : vector<16xf32>
      %gt3A_405 = arith.cmpf ogt, %mul3A_404, %scan3A_293 : vector<16xf32>
      %select_n3A_406 = arith.select %gt3A_405, %mul3A_404, %scan3A_293 : vector<16xi1>, vector<16xf32>
      %select_n3A_407 = arith.select %gt3A_405, %broadcast_in_dim3A_305, %scan3A_294 : vector<16xi1>, vector<16xi32>
      %get3A_408 = arith.index_cast %scan3A_268 : i32 to index
      %get3A_409 = arith.constant 208 : index
      %get3A_410 = tpu.vector_load %arg6[%get3A_408, %get3A_409] {strides = array<i32>} : memref<128x256xf32, #tpu.memory_space<vmem>>, vector<1x16xf32>,
      %get3A_411 = vector.shape_cast %get3A_410 : vector<1x16xf32> to vector<16xf32>
      %mul3A_412 = arith.mulf %get3A_411, %get3A_303 : vector<16xf32>
      %gt3A_413 = arith.cmpf ogt, %mul3A_412, %scan3A_295 : vector<16xf32>
      %select_n3A_414 = arith.select %gt3A_413, %mul3A_412, %scan3A_295 : vector<16xi1>, vector<16xf32>
      %select_n3A_415 = arith.select %gt3A_413, %broadcast_in_dim3A_305, %scan3A_296 : vector<16xi1>, vector<16xi32>
      %get3A_416 = arith.index_cast %scan3A_268 : i32 to index
      %get3A_417 = arith.constant 224 : index
      %get3A_418 = tpu.vector_load %arg6[%get3A_416, %get3A_417] {strides = array<i32>} : memref<128x256xf32, #tpu.memory_space<vmem>>, vector<1x16xf32>,
      %get3A_419 = vector.shape_cast %get3A_418 : vector<1x16xf32> to vector<16xf32>
      %mul3A_420 = arith.mulf %get3A_419, %get3A_303 : vector<16xf32>
      %gt3A_421 = arith.cmpf ogt, %mul3A_420, %scan3A_297 : vector<16xf32>
      %select_n3A_422 = arith.select %gt3A_421, %mul3A_420, %scan3A_297 : vector<16xi1>, vector<16xf32>
      %select_n3A_423 = arith.select %gt3A_421, %broadcast_in_dim3A_305, %scan3A_298 : vector<16xi1>, vector<16xi32>
      %get3A_424 = arith.index_cast %scan3A_268 : i32 to index
      %get3A_425 = arith.constant 240 : index
      %get3A_426 = tpu.vector_load %arg6[%get3A_424, %get3A_425] {strides = array<i32>} : memref<128x256xf32, #tpu.memory_space<vmem>>, vector<1x16xf32>,
      %get3A_427 = vector.shape_cast %get3A_426 : vector<1x16xf32> to vector<16xf32>
      %mul3A_428 = arith.mulf %get3A_427, %get3A_303 : vector<16xf32>
      %gt3A_429 = arith.cmpf ogt, %mul3A_428, %scan3A_299 : vector<16xf32>
      %select_n3A_430 = arith.select %gt3A_429, %mul3A_428, %scan3A_299 : vector<16xi1>, vector<16xf32>
      %select_n3A_431 = arith.select %gt3A_429, %broadcast_in_dim3A_305, %scan3A_300 : vector<16xi1>, vector<16xi32>
      scf.yield %select_n3A, %select_n3A_311, %select_n3A_318, %select_n3A_319, %select_n3A_326, %select_n3A_327, %select_n3A_334, %select_n3A_335, %select_n3A_342, %select_n3A_343, %select_n3A_350, %select_n3A_351, %select_n3A_358, %select_n3A_359, %select_n3A_366, %select_n3A_367, %select_n3A_374, %select_n3A_375, %select_n3A_382, %select_n3A_383, %select_n3A_390, %select_n3A_391, %select_n3A_398, %select_n3A_399, %select_n3A_406, %select_n3A_407, %select_n3A_414, %select_n3A_415, %select_n3A_422, %select_n3A_423, %select_n3A_430, %select_n3A_431 : vector<16xf32>, vector<16xi32>, vector<16xf32>, vector<16xi32>, vector<16xf32>, vector<16xi32>, vector<16xf32>, vector<16xi32>, vector<16xf32>, vector<16xi32>, vector<16xf32>, vector<16xi32>, vector<16xf32>, vector<16xi32>, vector<16xf32>, vector<16xi32>, vector<16xf32>, vector<16xi32>, vector<16xf32>, vector<16xi32>, vector<16xf32>, vector<16xi32>, vector<16xf32>, vector<16xi32>, vector<16xf32>, vector<16xi32>, vector<16xf32>, vector<16xi32>, vector<16xf32>, vector<16xi32>, vector<16xf32>, vector<16xi32>
    }
    %scan3A_103 = arith.constant 128 : i32
    %add3A_104 = arith.constant 1 : i32
    %add3A_105 = arith.addi %scan3A, %add3A_104 : i32
    %lt3A = arith.constant 1 : i32
    %lt3A_106 = arith.cmpi slt, %add3A_105, %lt3A : i32
    %convert_element_type3A = arith.extui %lt3A_106 : i1 to i32
    %cond3A = arith.constant 0 : i32
    %cond3A_107 = arith.cmpi ne, %convert_element_type3A, %cond3A : i32
    scf.if %cond3A_107 {
      %add3A_268 = arith.constant 256 : i32
      %add3A_269 = arith.addi %add3A_80, %add3A_268 : i32
      %dma_start3A_270 = tpu.memref_slice %arg2[%add3A_269, %mul3A_2] : memref<8192x8192xf32, #tpu.memory_space<hbm>> -> memref<128x256xf32, #tpu.memory_space<hbm>>
      %dma_start3A_271 = tpu.memref_slice %arg2[%add3A_269, %mul3A_2] : memref<8192x8192xf32, #tpu.memory_space<hbm>> -> memref<128x256xf32, #tpu.memory_space<hbm>>
      tpu.enqueue_dma source(%dma_start3A_271 : memref<128x256xf32, #tpu.memory_space<hbm>>) target(%arg6 : memref<128x256xf32, #tpu.memory_space<vmem>>) target_semaphore(%arg12 : memref<!tpu.dma_semaphore, #tpu.memory_space<semaphore_mem>>)
      %dma_start3A_272 = arith.constant 0 : i32
      %dma_start3A_273 = tpu.memref_slice %arg3[%add3A_269, %dma_start3A_272] : memref<8192x16xf32, #tpu.memory_space<hbm>> -> memref<128x16xf32, #tpu.memory_space<hbm>>
      %dma_start3A_274 = arith.constant 0 : i32
      %dma_start3A_275 = tpu.memref_slice %arg3[%add3A_269, %dma_start3A_274] : memref<8192x16xf32, #tpu.memory_space<hbm>> -> memref<128x16xf32, #tpu.memory_space<hbm>>
      tpu.enqueue_dma source(%dma_start3A_275 : memref<128x16xf32, #tpu.memory_space<hbm>>) target(%arg8 : memref<128x16xf32, #tpu.memory_space<vmem>>) target_semaphore(%arg14 : memref<!tpu.dma_semaphore, #tpu.memory_space<semaphore_mem>>)
    } else {
    }
    %dma_wait3A_108 = arith.constant 7936 : i32
    %dma_wait3A_109 = tpu.memref_slice %arg2[%dma_wait3A_108, %mul3A_2] : memref<8192x8192xf32, #tpu.memory_space<hbm>> -> memref<128x256xf32, #tpu.memory_space<hbm>>
    %dma_wait3A_110 = arith.constant 7936 : i32
    %dma_wait3A_111 = tpu.memref_slice %arg2[%dma_wait3A_110, %mul3A_2] : memref<8192x8192xf32, #tpu.memory_space<hbm>> -> memref<128x256xf32, #tpu.memory_space<hbm>>
    tpu.wait_dma2 semaphore(%arg13 : memref<!tpu.dma_semaphore, #tpu.memory_space<semaphore_mem>>) src(%dma_wait3A_111 : memref<128x256xf32, #tpu.memory_space<hbm>>) dst(%arg7 : memref<128x256xf32, #tpu.memory_space<vmem>>)
    %dma_wait3A_112 = arith.constant 7936 : i32
    %dma_wait3A_113 = arith.constant 0 : i32
    %dma_wait3A_114 = tpu.memref_slice %arg3[%dma_wait3A_112, %dma_wait3A_113] : memref<8192x16xf32, #tpu.memory_space<hbm>> -> memref<128x16xf32, #tpu.memory_space<hbm>>
    %dma_wait3A_115 = arith.constant 7936 : i32
    %dma_wait3A_116 = arith.constant 0 : i32
    %dma_wait3A_117 = tpu.memref_slice %arg3[%dma_wait3A_115, %dma_wait3A_116] : memref<8192x16xf32, #tpu.memory_space<hbm>> -> memref<128x16xf32, #tpu.memory_space<hbm>>
    tpu.wait_dma2 semaphore(%arg15 : memref<!tpu.dma_semaphore, #tpu.memory_space<semaphore_mem>>) src(%dma_wait3A_117 : memref<128x16xf32, #tpu.memory_space<hbm>>) dst(%arg9 : memref<128x16xf32, #tpu.memory_space<vmem>>)
    %scan3A_118 = arith.constant 0 : i32
    %scan3A_119 = arith.constant 128 : i32
    %scan3A_120 = arith.addi %scan3A_118, %scan3A_119 : i32
    %scan3A_121 = arith.constant 1 : i32
    %scan3A_122:32 = scf.for %scan3A_268 = %scan3A_118 to %scan3A_120 step %scan3A_121 iter_args(%scan3A_269 = %scan3A_102#0, %scan3A_270 = %scan3A_102#1, %scan3A_271 = %scan3A_102#2, %scan3A_272 = %scan3A_102#3, %scan3A_273 = %scan3A_102#4, %scan3A_274 = %scan3A_102#5, %scan3A_275 = %scan3A_102#6, %scan3A_276 = %scan3A_102#7, %scan3A_277 = %scan3A_102#8, %scan3A_278 = %scan3A_102#9, %scan3A_279 = %scan3A_102#10, %scan3A_280 = %scan3A_102#11, %scan3A_281 = %scan3A_102#12, %scan3A_282 = %scan3A_102#13, %scan3A_283 = %scan3A_102#14, %scan3A_284 = %scan3A_102#15, %scan3A_285 = %scan3A_102#16, %scan3A_286 = %scan3A_102#17, %scan3A_287 = %scan3A_102#18, %scan3A_288 = %scan3A_102#19, %scan3A_289 = %scan3A_102#20, %scan3A_290 = %scan3A_102#21, %scan3A_291 = %scan3A_102#22, %scan3A_292 = %scan3A_102#23, %scan3A_293 = %scan3A_102#24, %scan3A_294 = %scan3A_102#25, %scan3A_295 = %scan3A_102#26, %scan3A_296 = %scan3A_102#27, %scan3A_297 = %scan3A_102#28, %scan3A_298 = %scan3A_102#29, %scan3A_299 = %scan3A_102#30, %scan3A_300 = %scan3A_102#31) -> (vector<16xf32>, vector<16xi32>, vector<16xf32>, vector<16xi32>, vector<16xf32>, vector<16xi32>, vector<16xf32>, vector<16xi32>, vector<16xf32>, vector<16xi32>, vector<16xf32>, vector<16xi32>, vector<16xf32>, vector<16xi32>, vector<16xf32>, vector<16xi32>, vector<16xf32>, vector<16xi32>, vector<16xf32>, vector<16xi32>, vector<16xf32>, vector<16xi32>, vector<16xf32>, vector<16xi32>, vector<16xf32>, vector<16xi32>, vector<16xf32>, vector<16xi32>, vector<16xf32>, vector<16xi32>, vector<16xf32>, vector<16xi32>)  : i32 {
      %get3A = arith.index_cast %scan3A_268 : i32 to index
      %get3A_301 = arith.constant 0 : index
      %get3A_302 = tpu.vector_load %arg9[%get3A, %get3A_301] {strides = array<i32>} : memref<128x16xf32, #tpu.memory_space<vmem>>, vector<1x16xf32>,
      %get3A_303 = vector.shape_cast %get3A_302 : vector<1x16xf32> to vector<16xf32>
      %add3A_304 = arith.addi %add3A_82, %scan3A_268 : i32
      %broadcast_in_dim3A_305 = vector.broadcast %add3A_304 : i32 to vector<16xi32>
      %get3A_306 = arith.index_cast %scan3A_268 : i32 to index
      %get3A_307 = arith.constant 0 : index
      %get3A_308 = tpu.vector_load %arg7[%get3A_306, %get3A_307] {strides = array<i32>} : memref<128x256xf32, #tpu.memory_space<vmem>>, vector<1x16xf32>,
      %get3A_309 = vector.shape_cast %get3A_308 : vector<1x16xf32> to vector<16xf32>
      %mul3A_310 = arith.mulf %get3A_309, %get3A_303 : vector<16xf32>
      %gt3A = arith.cmpf ogt, %mul3A_310, %scan3A_269 : vector<16xf32>
      %select_n3A = arith.select %gt3A, %mul3A_310, %scan3A_269 : vector<16xi1>, vector<16xf32>
      %select_n3A_311 = arith.select %gt3A, %broadcast_in_dim3A_305, %scan3A_270 : vector<16xi1>, vector<16xi32>
      %get3A_312 = arith.index_cast %scan3A_268 : i32 to index
      %get3A_313 = arith.constant 16 : index
      %get3A_314 = tpu.vector_load %arg7[%get3A_312, %get3A_313] {strides = array<i32>} : memref<128x256xf32, #tpu.memory_space<vmem>>, vector<1x16xf32>,
      %get3A_315 = vector.shape_cast %get3A_314 : vector<1x16xf32> to vector<16xf32>
      %mul3A_316 = arith.mulf %get3A_315, %get3A_303 : vector<16xf32>
      %gt3A_317 = arith.cmpf ogt, %mul3A_316, %scan3A_271 : vector<16xf32>
      %select_n3A_318 = arith.select %gt3A_317, %mul3A_316, %scan3A_271 : vector<16xi1>, vector<16xf32>
      %select_n3A_319 = arith.select %gt3A_317, %broadcast_in_dim3A_305, %scan3A_272 : vector<16xi1>, vector<16xi32>
      %get3A_320 = arith.index_cast %scan3A_268 : i32 to index
      %get3A_321 = arith.constant 32 : index
      %get3A_322 = tpu.vector_load %arg7[%get3A_320, %get3A_321] {strides = array<i32>} : memref<128x256xf32, #tpu.memory_space<vmem>>, vector<1x16xf32>,
      %get3A_323 = vector.shape_cast %get3A_322 : vector<1x16xf32> to vector<16xf32>
      %mul3A_324 = arith.mulf %get3A_323, %get3A_303 : vector<16xf32>
      %gt3A_325 = arith.cmpf ogt, %mul3A_324, %scan3A_273 : vector<16xf32>
      %select_n3A_326 = arith.select %gt3A_325, %mul3A_324, %scan3A_273 : vector<16xi1>, vector<16xf32>
      %select_n3A_327 = arith.select %gt3A_325, %broadcast_in_dim3A_305, %scan3A_274 : vector<16xi1>, vector<16xi32>
      %get3A_328 = arith.index_cast %scan3A_268 : i32 to index
      %get3A_329 = arith.constant 48 : index
      %get3A_330 = tpu.vector_load %arg7[%get3A_328, %get3A_329] {strides = array<i32>} : memref<128x256xf32, #tpu.memory_space<vmem>>, vector<1x16xf32>,
      %get3A_331 = vector.shape_cast %get3A_330 : vector<1x16xf32> to vector<16xf32>
      %mul3A_332 = arith.mulf %get3A_331, %get3A_303 : vector<16xf32>
      %gt3A_333 = arith.cmpf ogt, %mul3A_332, %scan3A_275 : vector<16xf32>
      %select_n3A_334 = arith.select %gt3A_333, %mul3A_332, %scan3A_275 : vector<16xi1>, vector<16xf32>
      %select_n3A_335 = arith.select %gt3A_333, %broadcast_in_dim3A_305, %scan3A_276 : vector<16xi1>, vector<16xi32>
      %get3A_336 = arith.index_cast %scan3A_268 : i32 to index
      %get3A_337 = arith.constant 64 : index
      %get3A_338 = tpu.vector_load %arg7[%get3A_336, %get3A_337] {strides = array<i32>} : memref<128x256xf32, #tpu.memory_space<vmem>>, vector<1x16xf32>,
      %get3A_339 = vector.shape_cast %get3A_338 : vector<1x16xf32> to vector<16xf32>
      %mul3A_340 = arith.mulf %get3A_339, %get3A_303 : vector<16xf32>
      %gt3A_341 = arith.cmpf ogt, %mul3A_340, %scan3A_277 : vector<16xf32>
      %select_n3A_342 = arith.select %gt3A_341, %mul3A_340, %scan3A_277 : vector<16xi1>, vector<16xf32>
      %select_n3A_343 = arith.select %gt3A_341, %broadcast_in_dim3A_305, %scan3A_278 : vector<16xi1>, vector<16xi32>
      %get3A_344 = arith.index_cast %scan3A_268 : i32 to index
      %get3A_345 = arith.constant 80 : index
      %get3A_346 = tpu.vector_load %arg7[%get3A_344, %get3A_345] {strides = array<i32>} : memref<128x256xf32, #tpu.memory_space<vmem>>, vector<1x16xf32>,
      %get3A_347 = vector.shape_cast %get3A_346 : vector<1x16xf32> to vector<16xf32>
      %mul3A_348 = arith.mulf %get3A_347, %get3A_303 : vector<16xf32>
      %gt3A_349 = arith.cmpf ogt, %mul3A_348, %scan3A_279 : vector<16xf32>
      %select_n3A_350 = arith.select %gt3A_349, %mul3A_348, %scan3A_279 : vector<16xi1>, vector<16xf32>
      %select_n3A_351 = arith.select %gt3A_349, %broadcast_in_dim3A_305, %scan3A_280 : vector<16xi1>, vector<16xi32>
      %get3A_352 = arith.index_cast %scan3A_268 : i32 to index
      %get3A_353 = arith.constant 96 : index
      %get3A_354 = tpu.vector_load %arg7[%get3A_352, %get3A_353] {strides = array<i32>} : memref<128x256xf32, #tpu.memory_space<vmem>>, vector<1x16xf32>,
      %get3A_355 = vector.shape_cast %get3A_354 : vector<1x16xf32> to vector<16xf32>
      %mul3A_356 = arith.mulf %get3A_355, %get3A_303 : vector<16xf32>
      %gt3A_357 = arith.cmpf ogt, %mul3A_356, %scan3A_281 : vector<16xf32>
      %select_n3A_358 = arith.select %gt3A_357, %mul3A_356, %scan3A_281 : vector<16xi1>, vector<16xf32>
      %select_n3A_359 = arith.select %gt3A_357, %broadcast_in_dim3A_305, %scan3A_282 : vector<16xi1>, vector<16xi32>
      %get3A_360 = arith.index_cast %scan3A_268 : i32 to index
      %get3A_361 = arith.constant 112 : index
      %get3A_362 = tpu.vector_load %arg7[%get3A_360, %get3A_361] {strides = array<i32>} : memref<128x256xf32, #tpu.memory_space<vmem>>, vector<1x16xf32>,
      %get3A_363 = vector.shape_cast %get3A_362 : vector<1x16xf32> to vector<16xf32>
      %mul3A_364 = arith.mulf %get3A_363, %get3A_303 : vector<16xf32>
      %gt3A_365 = arith.cmpf ogt, %mul3A_364, %scan3A_283 : vector<16xf32>
      %select_n3A_366 = arith.select %gt3A_365, %mul3A_364, %scan3A_283 : vector<16xi1>, vector<16xf32>
      %select_n3A_367 = arith.select %gt3A_365, %broadcast_in_dim3A_305, %scan3A_284 : vector<16xi1>, vector<16xi32>
      %get3A_368 = arith.index_cast %scan3A_268 : i32 to index
      %get3A_369 = arith.constant 128 : index
      %get3A_370 = tpu.vector_load %arg7[%get3A_368, %get3A_369] {strides = array<i32>} : memref<128x256xf32, #tpu.memory_space<vmem>>, vector<1x16xf32>,
      %get3A_371 = vector.shape_cast %get3A_370 : vector<1x16xf32> to vector<16xf32>
      %mul3A_372 = arith.mulf %get3A_371, %get3A_303 : vector<16xf32>
      %gt3A_373 = arith.cmpf ogt, %mul3A_372, %scan3A_285 : vector<16xf32>
      %select_n3A_374 = arith.select %gt3A_373, %mul3A_372, %scan3A_285 : vector<16xi1>, vector<16xf32>
      %select_n3A_375 = arith.select %gt3A_373, %broadcast_in_dim3A_305, %scan3A_286 : vector<16xi1>, vector<16xi32>
      %get3A_376 = arith.index_cast %scan3A_268 : i32 to index
      %get3A_377 = arith.constant 144 : index
      %get3A_378 = tpu.vector_load %arg7[%get3A_376, %get3A_377] {strides = array<i32>} : memref<128x256xf32, #tpu.memory_space<vmem>>, vector<1x16xf32>,
      %get3A_379 = vector.shape_cast %get3A_378 : vector<1x16xf32> to vector<16xf32>
      %mul3A_380 = arith.mulf %get3A_379, %get3A_303 : vector<16xf32>
      %gt3A_381 = arith.cmpf ogt, %mul3A_380, %scan3A_287 : vector<16xf32>
      %select_n3A_382 = arith.select %gt3A_381, %mul3A_380, %scan3A_287 : vector<16xi1>, vector<16xf32>
      %select_n3A_383 = arith.select %gt3A_381, %broadcast_in_dim3A_305, %scan3A_288 : vector<16xi1>, vector<16xi32>
      %get3A_384 = arith.index_cast %scan3A_268 : i32 to index
      %get3A_385 = arith.constant 160 : index
      %get3A_386 = tpu.vector_load %arg7[%get3A_384, %get3A_385] {strides = array<i32>} : memref<128x256xf32, #tpu.memory_space<vmem>>, vector<1x16xf32>,
      %get3A_387 = vector.shape_cast %get3A_386 : vector<1x16xf32> to vector<16xf32>
      %mul3A_388 = arith.mulf %get3A_387, %get3A_303 : vector<16xf32>
      %gt3A_389 = arith.cmpf ogt, %mul3A_388, %scan3A_289 : vector<16xf32>
      %select_n3A_390 = arith.select %gt3A_389, %mul3A_388, %scan3A_289 : vector<16xi1>, vector<16xf32>
      %select_n3A_391 = arith.select %gt3A_389, %broadcast_in_dim3A_305, %scan3A_290 : vector<16xi1>, vector<16xi32>
      %get3A_392 = arith.index_cast %scan3A_268 : i32 to index
      %get3A_393 = arith.constant 176 : index
      %get3A_394 = tpu.vector_load %arg7[%get3A_392, %get3A_393] {strides = array<i32>} : memref<128x256xf32, #tpu.memory_space<vmem>>, vector<1x16xf32>,
      %get3A_395 = vector.shape_cast %get3A_394 : vector<1x16xf32> to vector<16xf32>
      %mul3A_396 = arith.mulf %get3A_395, %get3A_303 : vector<16xf32>
      %gt3A_397 = arith.cmpf ogt, %mul3A_396, %scan3A_291 : vector<16xf32>
      %select_n3A_398 = arith.select %gt3A_397, %mul3A_396, %scan3A_291 : vector<16xi1>, vector<16xf32>
      %select_n3A_399 = arith.select %gt3A_397, %broadcast_in_dim3A_305, %scan3A_292 : vector<16xi1>, vector<16xi32>
      %get3A_400 = arith.index_cast %scan3A_268 : i32 to index
      %get3A_401 = arith.constant 192 : index
      %get3A_402 = tpu.vector_load %arg7[%get3A_400, %get3A_401] {strides = array<i32>} : memref<128x256xf32, #tpu.memory_space<vmem>>, vector<1x16xf32>,
      %get3A_403 = vector.shape_cast %get3A_402 : vector<1x16xf32> to vector<16xf32>
      %mul3A_404 = arith.mulf %get3A_403, %get3A_303 : vector<16xf32>
      %gt3A_405 = arith.cmpf ogt, %mul3A_404, %scan3A_293 : vector<16xf32>
      %select_n3A_406 = arith.select %gt3A_405, %mul3A_404, %scan3A_293 : vector<16xi1>, vector<16xf32>
      %select_n3A_407 = arith.select %gt3A_405, %broadcast_in_dim3A_305, %scan3A_294 : vector<16xi1>, vector<16xi32>
      %get3A_408 = arith.index_cast %scan3A_268 : i32 to index
      %get3A_409 = arith.constant 208 : index
      %get3A_410 = tpu.vector_load %arg7[%get3A_408, %get3A_409] {strides = array<i32>} : memref<128x256xf32, #tpu.memory_space<vmem>>, vector<1x16xf32>,
      %get3A_411 = vector.shape_cast %get3A_410 : vector<1x16xf32> to vector<16xf32>
      %mul3A_412 = arith.mulf %get3A_411, %get3A_303 : vector<16xf32>
      %gt3A_413 = arith.cmpf ogt, %mul3A_412, %scan3A_295 : vector<16xf32>
      %select_n3A_414 = arith.select %gt3A_413, %mul3A_412, %scan3A_295 : vector<16xi1>, vector<16xf32>
      %select_n3A_415 = arith.select %gt3A_413, %broadcast_in_dim3A_305, %scan3A_296 : vector<16xi1>, vector<16xi32>
      %get3A_416 = arith.index_cast %scan3A_268 : i32 to index
      %get3A_417 = arith.constant 224 : index
      %get3A_418 = tpu.vector_load %arg7[%get3A_416, %get3A_417] {strides = array<i32>} : memref<128x256xf32, #tpu.memory_space<vmem>>, vector<1x16xf32>,
      %get3A_419 = vector.shape_cast %get3A_418 : vector<1x16xf32> to vector<16xf32>
      %mul3A_420 = arith.mulf %get3A_419, %get3A_303 : vector<16xf32>
      %gt3A_421 = arith.cmpf ogt, %mul3A_420, %scan3A_297 : vector<16xf32>
      %select_n3A_422 = arith.select %gt3A_421, %mul3A_420, %scan3A_297 : vector<16xi1>, vector<16xf32>
      %select_n3A_423 = arith.select %gt3A_421, %broadcast_in_dim3A_305, %scan3A_298 : vector<16xi1>, vector<16xi32>
      %get3A_424 = arith.index_cast %scan3A_268 : i32 to index
      %get3A_425 = arith.constant 240 : index
      %get3A_426 = tpu.vector_load %arg7[%get3A_424, %get3A_425] {strides = array<i32>} : memref<128x256xf32, #tpu.memory_space<vmem>>, vector<1x16xf32>,
      %get3A_427 = vector.shape_cast %get3A_426 : vector<1x16xf32> to vector<16xf32>
      %mul3A_428 = arith.mulf %get3A_427, %get3A_303 : vector<16xf32>
      %gt3A_429 = arith.cmpf ogt, %mul3A_428, %scan3A_299 : vector<16xf32>
      %select_n3A_430 = arith.select %gt3A_429, %mul3A_428, %scan3A_299 : vector<16xi1>, vector<16xf32>
      %select_n3A_431 = arith.select %gt3A_429, %broadcast_in_dim3A_305, %scan3A_300 : vector<16xi1>, vector<16xi32>
      scf.yield %select_n3A, %select_n3A_311, %select_n3A_318, %select_n3A_319, %select_n3A_326, %select_n3A_327, %select_n3A_334, %select_n3A_335, %select_n3A_342, %select_n3A_343, %select_n3A_350, %select_n3A_351, %select_n3A_358, %select_n3A_359, %select_n3A_366, %select_n3A_367, %select_n3A_374, %select_n3A_375, %select_n3A_382, %select_n3A_383, %select_n3A_390, %select_n3A_391, %select_n3A_398, %select_n3A_399, %select_n3A_406, %select_n3A_407, %select_n3A_414, %select_n3A_415, %select_n3A_422, %select_n3A_423, %select_n3A_430, %select_n3A_431 : vector<16xf32>, vector<16xi32>, vector<16xf32>, vector<16xi32>, vector<16xf32>, vector<16xi32>, vector<16xf32>, vector<16xi32>, vector<16xf32>, vector<16xi32>, vector<16xf32>, vector<16xi32>, vector<16xf32>, vector<16xi32>, vector<16xf32>, vector<16xi32>, vector<16xf32>, vector<16xi32>, vector<16xf32>, vector<16xi32>, vector<16xf32>, vector<16xi32>, vector<16xf32>, vector<16xi32>, vector<16xf32>, vector<16xi32>, vector<16xf32>, vector<16xi32>, vector<16xf32>, vector<16xi32>, vector<16xf32>, vector<16xi32>
    }
    %scan3A_123 = arith.constant 128 : i32
    %scan3A_124 = arith.constant 1 : i32
    %swap3A = arith.constant 0 : index
    %swap3A_125 = tpu.vector_load %arg10[%swap3A] {strides = array<i32>} : memref<256xf32, #tpu.memory_space<vmem>>, vector<16xf32>,
    %swap3A_126 = vector.shape_cast %swap3A_125 : vector<16xf32> to vector<16xf32>
    %swap3A_127 = vector.shape_cast %scan3A_122#0 : vector<16xf32> to vector<16xf32>
    tpu.vector_store %arg10[%swap3A], %swap3A_127 {strides = array<i32>} : memref<256xf32, #tpu.memory_space<vmem>>, vector<16xf32>,
    %convert_element_type3A_128 = arith.sitofp %scan3A_122#1 : vector<16xi32> to vector<16xf32>
    %swap3A_129 = arith.constant 0 : index
    %swap3A_130 = tpu.vector_load %arg11[%swap3A_129] {strides = array<i32>} : memref<256xf32, #tpu.memory_space<vmem>>, vector<16xf32>,
    %swap3A_131 = vector.shape_cast %swap3A_130 : vector<16xf32> to vector<16xf32>
    %swap3A_132 = vector.shape_cast %convert_element_type3A_128 : vector<16xf32> to vector<16xf32>
    tpu.vector_store %arg11[%swap3A_129], %swap3A_132 {strides = array<i32>} : memref<256xf32, #tpu.memory_space<vmem>>, vector<16xf32>,
    %swap3A_133 = arith.constant 16 : index
    %swap3A_134 = tpu.vector_load %arg10[%swap3A_133] {strides = array<i32>} : memref<256xf32, #tpu.memory_space<vmem>>, vector<16xf32>,
    %swap3A_135 = vector.shape_cast %swap3A_134 : vector<16xf32> to vector<16xf32>
    %swap3A_136 = vector.shape_cast %scan3A_122#2 : vector<16xf32> to vector<16xf32>
    tpu.vector_store %arg10[%swap3A_133], %swap3A_136 {strides = array<i32>} : memref<256xf32, #tpu.memory_space<vmem>>, vector<16xf32>,
    %convert_element_type3A_137 = arith.sitofp %scan3A_122#3 : vector<16xi32> to vector<16xf32>
    %swap3A_138 = arith.constant 16 : index
    %swap3A_139 = tpu.vector_load %arg11[%swap3A_138] {strides = array<i32>} : memref<256xf32, #tpu.memory_space<vmem>>, vector<16xf32>,
    %swap3A_140 = vector.shape_cast %swap3A_139 : vector<16xf32> to vector<16xf32>
    %swap3A_141 = vector.shape_cast %convert_element_type3A_137 : vector<16xf32> to vector<16xf32>
    tpu.vector_store %arg11[%swap3A_138], %swap3A_141 {strides = array<i32>} : memref<256xf32, #tpu.memory_space<vmem>>, vector<16xf32>,
    %swap3A_142 = arith.constant 32 : index
    %swap3A_143 = tpu.vector_load %arg10[%swap3A_142] {strides = array<i32>} : memref<256xf32, #tpu.memory_space<vmem>>, vector<16xf32>,
    %swap3A_144 = vector.shape_cast %swap3A_143 : vector<16xf32> to vector<16xf32>
    %swap3A_145 = vector.shape_cast %scan3A_122#4 : vector<16xf32> to vector<16xf32>
    tpu.vector_store %arg10[%swap3A_142], %swap3A_145 {strides = array<i32>} : memref<256xf32, #tpu.memory_space<vmem>>, vector<16xf32>,
    %convert_element_type3A_146 = arith.sitofp %scan3A_122#5 : vector<16xi32> to vector<16xf32>
    %swap3A_147 = arith.constant 32 : index
    %swap3A_148 = tpu.vector_load %arg11[%swap3A_147] {strides = array<i32>} : memref<256xf32, #tpu.memory_space<vmem>>, vector<16xf32>,
    %swap3A_149 = vector.shape_cast %swap3A_148 : vector<16xf32> to vector<16xf32>
    %swap3A_150 = vector.shape_cast %convert_element_type3A_146 : vector<16xf32> to vector<16xf32>
    tpu.vector_store %arg11[%swap3A_147], %swap3A_150 {strides = array<i32>} : memref<256xf32, #tpu.memory_space<vmem>>, vector<16xf32>,
    %swap3A_151 = arith.constant 48 : index
    %swap3A_152 = tpu.vector_load %arg10[%swap3A_151] {strides = array<i32>} : memref<256xf32, #tpu.memory_space<vmem>>, vector<16xf32>,
    %swap3A_153 = vector.shape_cast %swap3A_152 : vector<16xf32> to vector<16xf32>
    %swap3A_154 = vector.shape_cast %scan3A_122#6 : vector<16xf32> to vector<16xf32>
    tpu.vector_store %arg10[%swap3A_151], %swap3A_154 {strides = array<i32>} : memref<256xf32, #tpu.memory_space<vmem>>, vector<16xf32>,
    %convert_element_type3A_155 = arith.sitofp %scan3A_122#7 : vector<16xi32> to vector<16xf32>
    %swap3A_156 = arith.constant 48 : index
    %swap3A_157 = tpu.vector_load %arg11[%swap3A_156] {strides = array<i32>} : memref<256xf32, #tpu.memory_space<vmem>>, vector<16xf32>,
    %swap3A_158 = vector.shape_cast %swap3A_157 : vector<16xf32> to vector<16xf32>
    %swap3A_159 = vector.shape_cast %convert_element_type3A_155 : vector<16xf32> to vector<16xf32>
    tpu.vector_store %arg11[%swap3A_156], %swap3A_159 {strides = array<i32>} : memref<256xf32, #tpu.memory_space<vmem>>, vector<16xf32>,
    %swap3A_160 = arith.constant 64 : index
    %swap3A_161 = tpu.vector_load %arg10[%swap3A_160] {strides = array<i32>} : memref<256xf32, #tpu.memory_space<vmem>>, vector<16xf32>,
    %swap3A_162 = vector.shape_cast %swap3A_161 : vector<16xf32> to vector<16xf32>
    %swap3A_163 = vector.shape_cast %scan3A_122#8 : vector<16xf32> to vector<16xf32>
    tpu.vector_store %arg10[%swap3A_160], %swap3A_163 {strides = array<i32>} : memref<256xf32, #tpu.memory_space<vmem>>, vector<16xf32>,
    %convert_element_type3A_164 = arith.sitofp %scan3A_122#9 : vector<16xi32> to vector<16xf32>
    %swap3A_165 = arith.constant 64 : index
    %swap3A_166 = tpu.vector_load %arg11[%swap3A_165] {strides = array<i32>} : memref<256xf32, #tpu.memory_space<vmem>>, vector<16xf32>,
    %swap3A_167 = vector.shape_cast %swap3A_166 : vector<16xf32> to vector<16xf32>
    %swap3A_168 = vector.shape_cast %convert_element_type3A_164 : vector<16xf32> to vector<16xf32>
    tpu.vector_store %arg11[%swap3A_165], %swap3A_168 {strides = array<i32>} : memref<256xf32, #tpu.memory_space<vmem>>, vector<16xf32>,
    %swap3A_169 = arith.constant 80 : index
    %swap3A_170 = tpu.vector_load %arg10[%swap3A_169] {strides = array<i32>} : memref<256xf32, #tpu.memory_space<vmem>>, vector<16xf32>,
    %swap3A_171 = vector.shape_cast %swap3A_170 : vector<16xf32> to vector<16xf32>
    %swap3A_172 = vector.shape_cast %scan3A_122#10 : vector<16xf32> to vector<16xf32>
    tpu.vector_store %arg10[%swap3A_169], %swap3A_172 {strides = array<i32>} : memref<256xf32, #tpu.memory_space<vmem>>, vector<16xf32>,
    %convert_element_type3A_173 = arith.sitofp %scan3A_122#11 : vector<16xi32> to vector<16xf32>
    %swap3A_174 = arith.constant 80 : index
    %swap3A_175 = tpu.vector_load %arg11[%swap3A_174] {strides = array<i32>} : memref<256xf32, #tpu.memory_space<vmem>>, vector<16xf32>,
    %swap3A_176 = vector.shape_cast %swap3A_175 : vector<16xf32> to vector<16xf32>
    %swap3A_177 = vector.shape_cast %convert_element_type3A_173 : vector<16xf32> to vector<16xf32>
    tpu.vector_store %arg11[%swap3A_174], %swap3A_177 {strides = array<i32>} : memref<256xf32, #tpu.memory_space<vmem>>, vector<16xf32>,
    %swap3A_178 = arith.constant 96 : index
    %swap3A_179 = tpu.vector_load %arg10[%swap3A_178] {strides = array<i32>} : memref<256xf32, #tpu.memory_space<vmem>>, vector<16xf32>,
    %swap3A_180 = vector.shape_cast %swap3A_179 : vector<16xf32> to vector<16xf32>
    %swap3A_181 = vector.shape_cast %scan3A_122#12 : vector<16xf32> to vector<16xf32>
    tpu.vector_store %arg10[%swap3A_178], %swap3A_181 {strides = array<i32>} : memref<256xf32, #tpu.memory_space<vmem>>, vector<16xf32>,
    %convert_element_type3A_182 = arith.sitofp %scan3A_122#13 : vector<16xi32> to vector<16xf32>
    %swap3A_183 = arith.constant 96 : index
    %swap3A_184 = tpu.vector_load %arg11[%swap3A_183] {strides = array<i32>} : memref<256xf32, #tpu.memory_space<vmem>>, vector<16xf32>,
    %swap3A_185 = vector.shape_cast %swap3A_184 : vector<16xf32> to vector<16xf32>
    %swap3A_186 = vector.shape_cast %convert_element_type3A_182 : vector<16xf32> to vector<16xf32>
    tpu.vector_store %arg11[%swap3A_183], %swap3A_186 {strides = array<i32>} : memref<256xf32, #tpu.memory_space<vmem>>, vector<16xf32>,
    %swap3A_187 = arith.constant 112 : index
    %swap3A_188 = tpu.vector_load %arg10[%swap3A_187] {strides = array<i32>} : memref<256xf32, #tpu.memory_space<vmem>>, vector<16xf32>,
    %swap3A_189 = vector.shape_cast %swap3A_188 : vector<16xf32> to vector<16xf32>
    %swap3A_190 = vector.shape_cast %scan3A_122#14 : vector<16xf32> to vector<16xf32>
    tpu.vector_store %arg10[%swap3A_187], %swap3A_190 {strides = array<i32>} : memref<256xf32, #tpu.memory_space<vmem>>, vector<16xf32>,
    %convert_element_type3A_191 = arith.sitofp %scan3A_122#15 : vector<16xi32> to vector<16xf32>
    %swap3A_192 = arith.constant 112 : index
    %swap3A_193 = tpu.vector_load %arg11[%swap3A_192] {strides = array<i32>} : memref<256xf32, #tpu.memory_space<vmem>>, vector<16xf32>,
    %swap3A_194 = vector.shape_cast %swap3A_193 : vector<16xf32> to vector<16xf32>
    %swap3A_195 = vector.shape_cast %convert_element_type3A_191 : vector<16xf32> to vector<16xf32>
    tpu.vector_store %arg11[%swap3A_192], %swap3A_195 {strides = array<i32>} : memref<256xf32, #tpu.memory_space<vmem>>, vector<16xf32>,
    %swap3A_196 = arith.constant 128 : index
    %swap3A_197 = tpu.vector_load %arg10[%swap3A_196] {strides = array<i32>} : memref<256xf32, #tpu.memory_space<vmem>>, vector<16xf32>,
    %swap3A_198 = vector.shape_cast %swap3A_197 : vector<16xf32> to vector<16xf32>
    %swap3A_199 = vector.shape_cast %scan3A_122#16 : vector<16xf32> to vector<16xf32>
    tpu.vector_store %arg10[%swap3A_196], %swap3A_199 {strides = array<i32>} : memref<256xf32, #tpu.memory_space<vmem>>, vector<16xf32>,
    %convert_element_type3A_200 = arith.sitofp %scan3A_122#17 : vector<16xi32> to vector<16xf32>
    %swap3A_201 = arith.constant 128 : index
    %swap3A_202 = tpu.vector_load %arg11[%swap3A_201] {strides = array<i32>} : memref<256xf32, #tpu.memory_space<vmem>>, vector<16xf32>,
    %swap3A_203 = vector.shape_cast %swap3A_202 : vector<16xf32> to vector<16xf32>
    %swap3A_204 = vector.shape_cast %convert_element_type3A_200 : vector<16xf32> to vector<16xf32>
    tpu.vector_store %arg11[%swap3A_201], %swap3A_204 {strides = array<i32>} : memref<256xf32, #tpu.memory_space<vmem>>, vector<16xf32>,
    %swap3A_205 = arith.constant 144 : index
    %swap3A_206 = tpu.vector_load %arg10[%swap3A_205] {strides = array<i32>} : memref<256xf32, #tpu.memory_space<vmem>>, vector<16xf32>,
    %swap3A_207 = vector.shape_cast %swap3A_206 : vector<16xf32> to vector<16xf32>
    %swap3A_208 = vector.shape_cast %scan3A_122#18 : vector<16xf32> to vector<16xf32>
    tpu.vector_store %arg10[%swap3A_205], %swap3A_208 {strides = array<i32>} : memref<256xf32, #tpu.memory_space<vmem>>, vector<16xf32>,
    %convert_element_type3A_209 = arith.sitofp %scan3A_122#19 : vector<16xi32> to vector<16xf32>
    %swap3A_210 = arith.constant 144 : index
    %swap3A_211 = tpu.vector_load %arg11[%swap3A_210] {strides = array<i32>} : memref<256xf32, #tpu.memory_space<vmem>>, vector<16xf32>,
    %swap3A_212 = vector.shape_cast %swap3A_211 : vector<16xf32> to vector<16xf32>
    %swap3A_213 = vector.shape_cast %convert_element_type3A_209 : vector<16xf32> to vector<16xf32>
    tpu.vector_store %arg11[%swap3A_210], %swap3A_213 {strides = array<i32>} : memref<256xf32, #tpu.memory_space<vmem>>, vector<16xf32>,
    %swap3A_214 = arith.constant 160 : index
    %swap3A_215 = tpu.vector_load %arg10[%swap3A_214] {strides = array<i32>} : memref<256xf32, #tpu.memory_space<vmem>>, vector<16xf32>,
    %swap3A_216 = vector.shape_cast %swap3A_215 : vector<16xf32> to vector<16xf32>
    %swap3A_217 = vector.shape_cast %scan3A_122#20 : vector<16xf32> to vector<16xf32>
    tpu.vector_store %arg10[%swap3A_214], %swap3A_217 {strides = array<i32>} : memref<256xf32, #tpu.memory_space<vmem>>, vector<16xf32>,
    %convert_element_type3A_218 = arith.sitofp %scan3A_122#21 : vector<16xi32> to vector<16xf32>
    %swap3A_219 = arith.constant 160 : index
    %swap3A_220 = tpu.vector_load %arg11[%swap3A_219] {strides = array<i32>} : memref<256xf32, #tpu.memory_space<vmem>>, vector<16xf32>,
    %swap3A_221 = vector.shape_cast %swap3A_220 : vector<16xf32> to vector<16xf32>
    %swap3A_222 = vector.shape_cast %convert_element_type3A_218 : vector<16xf32> to vector<16xf32>
    tpu.vector_store %arg11[%swap3A_219], %swap3A_222 {strides = array<i32>} : memref<256xf32, #tpu.memory_space<vmem>>, vector<16xf32>,
    %swap3A_223 = arith.constant 176 : index
    %swap3A_224 = tpu.vector_load %arg10[%swap3A_223] {strides = array<i32>} : memref<256xf32, #tpu.memory_space<vmem>>, vector<16xf32>,
    %swap3A_225 = vector.shape_cast %swap3A_224 : vector<16xf32> to vector<16xf32>
    %swap3A_226 = vector.shape_cast %scan3A_122#22 : vector<16xf32> to vector<16xf32>
    tpu.vector_store %arg10[%swap3A_223], %swap3A_226 {strides = array<i32>} : memref<256xf32, #tpu.memory_space<vmem>>, vector<16xf32>,
    %convert_element_type3A_227 = arith.sitofp %scan3A_122#23 : vector<16xi32> to vector<16xf32>
    %swap3A_228 = arith.constant 176 : index
    %swap3A_229 = tpu.vector_load %arg11[%swap3A_228] {strides = array<i32>} : memref<256xf32, #tpu.memory_space<vmem>>, vector<16xf32>,
    %swap3A_230 = vector.shape_cast %swap3A_229 : vector<16xf32> to vector<16xf32>
    %swap3A_231 = vector.shape_cast %convert_element_type3A_227 : vector<16xf32> to vector<16xf32>
    tpu.vector_store %arg11[%swap3A_228], %swap3A_231 {strides = array<i32>} : memref<256xf32, #tpu.memory_space<vmem>>, vector<16xf32>,
    %swap3A_232 = arith.constant 192 : index
    %swap3A_233 = tpu.vector_load %arg10[%swap3A_232] {strides = array<i32>} : memref<256xf32, #tpu.memory_space<vmem>>, vector<16xf32>,
    %swap3A_234 = vector.shape_cast %swap3A_233 : vector<16xf32> to vector<16xf32>
    %swap3A_235 = vector.shape_cast %scan3A_122#24 : vector<16xf32> to vector<16xf32>
    tpu.vector_store %arg10[%swap3A_232], %swap3A_235 {strides = array<i32>} : memref<256xf32, #tpu.memory_space<vmem>>, vector<16xf32>,
    %convert_element_type3A_236 = arith.sitofp %scan3A_122#25 : vector<16xi32> to vector<16xf32>
    %swap3A_237 = arith.constant 192 : index
    %swap3A_238 = tpu.vector_load %arg11[%swap3A_237] {strides = array<i32>} : memref<256xf32, #tpu.memory_space<vmem>>, vector<16xf32>,
    %swap3A_239 = vector.shape_cast %swap3A_238 : vector<16xf32> to vector<16xf32>
    %swap3A_240 = vector.shape_cast %convert_element_type3A_236 : vector<16xf32> to vector<16xf32>
    tpu.vector_store %arg11[%swap3A_237], %swap3A_240 {strides = array<i32>} : memref<256xf32, #tpu.memory_space<vmem>>, vector<16xf32>,
    %swap3A_241 = arith.constant 208 : index
    %swap3A_242 = tpu.vector_load %arg10[%swap3A_241] {strides = array<i32>} : memref<256xf32, #tpu.memory_space<vmem>>, vector<16xf32>,
    %swap3A_243 = vector.shape_cast %swap3A_242 : vector<16xf32> to vector<16xf32>
    %swap3A_244 = vector.shape_cast %scan3A_122#26 : vector<16xf32> to vector<16xf32>
    tpu.vector_store %arg10[%swap3A_241], %swap3A_244 {strides = array<i32>} : memref<256xf32, #tpu.memory_space<vmem>>, vector<16xf32>,
    %convert_element_type3A_245 = arith.sitofp %scan3A_122#27 : vector<16xi32> to vector<16xf32>
    %swap3A_246 = arith.constant 208 : index
    %swap3A_247 = tpu.vector_load %arg11[%swap3A_246] {strides = array<i32>} : memref<256xf32, #tpu.memory_space<vmem>>, vector<16xf32>,
    %swap3A_248 = vector.shape_cast %swap3A_247 : vector<16xf32> to vector<16xf32>
    %swap3A_249 = vector.shape_cast %convert_element_type3A_245 : vector<16xf32> to vector<16xf32>
    tpu.vector_store %arg11[%swap3A_246], %swap3A_249 {strides = array<i32>} : memref<256xf32, #tpu.memory_space<vmem>>, vector<16xf32>,
    %swap3A_250 = arith.constant 224 : index
    %swap3A_251 = tpu.vector_load %arg10[%swap3A_250] {strides = array<i32>} : memref<256xf32, #tpu.memory_space<vmem>>, vector<16xf32>,
    %swap3A_252 = vector.shape_cast %swap3A_251 : vector<16xf32> to vector<16xf32>
    %swap3A_253 = vector.shape_cast %scan3A_122#28 : vector<16xf32> to vector<16xf32>
    tpu.vector_store %arg10[%swap3A_250], %swap3A_253 {strides = array<i32>} : memref<256xf32, #tpu.memory_space<vmem>>, vector<16xf32>,
    %convert_element_type3A_254 = arith.sitofp %scan3A_122#29 : vector<16xi32> to vector<16xf32>
    %swap3A_255 = arith.constant 224 : index
    %swap3A_256 = tpu.vector_load %arg11[%swap3A_255] {strides = array<i32>} : memref<256xf32, #tpu.memory_space<vmem>>, vector<16xf32>,
    %swap3A_257 = vector.shape_cast %swap3A_256 : vector<16xf32> to vector<16xf32>
    %swap3A_258 = vector.shape_cast %convert_element_type3A_254 : vector<16xf32> to vector<16xf32>
    tpu.vector_store %arg11[%swap3A_255], %swap3A_258 {strides = array<i32>} : memref<256xf32, #tpu.memory_space<vmem>>, vector<16xf32>,
    %swap3A_259 = arith.constant 240 : index
    %swap3A_260 = tpu.vector_load %arg10[%swap3A_259] {strides = array<i32>} : memref<256xf32, #tpu.memory_space<vmem>>, vector<16xf32>,
    %swap3A_261 = vector.shape_cast %swap3A_260 : vector<16xf32> to vector<16xf32>
    %swap3A_262 = vector.shape_cast %scan3A_122#30 : vector<16xf32> to vector<16xf32>
    tpu.vector_store %arg10[%swap3A_259], %swap3A_262 {strides = array<i32>} : memref<256xf32, #tpu.memory_space<vmem>>, vector<16xf32>,
    %convert_element_type3A_263 = arith.sitofp %scan3A_122#31 : vector<16xi32> to vector<16xf32>
    %swap3A_264 = arith.constant 240 : index
    %swap3A_265 = tpu.vector_load %arg11[%swap3A_264] {strides = array<i32>} : memref<256xf32, #tpu.memory_space<vmem>>, vector<16xf32>,
    %swap3A_266 = vector.shape_cast %swap3A_265 : vector<16xf32> to vector<16xf32>
    %swap3A_267 = vector.shape_cast %convert_element_type3A_263 : vector<16xf32> to vector<16xf32>
    tpu.vector_store %arg11[%swap3A_264], %swap3A_267 {strides = array<i32>} : memref<256xf32, #tpu.memory_space<vmem>>, vector<16xf32>,
    "tpu.region"() ({
      %run_scoped3A = tpu.sem_alloc : memref<!tpu.dma_semaphore, #tpu.memory_space<semaphore_mem>>
      %dma_start3A_268 = tpu.memref_slice %arg4[%mul3A_2] : memref<8192xf32, #tpu.memory_space<hbm>> -> memref<256xf32, #tpu.memory_space<hbm>>
      %dma_start3A_269 = tpu.memref_slice %arg4[%mul3A_2] : memref<8192xf32, #tpu.memory_space<hbm>> -> memref<256xf32, #tpu.memory_space<hbm>>
      tpu.enqueue_dma source(%arg10 : memref<256xf32, #tpu.memory_space<vmem>>) target(%dma_start3A_269 : memref<256xf32, #tpu.memory_space<hbm>>) target_semaphore(%run_scoped3A : memref<!tpu.dma_semaphore, #tpu.memory_space<semaphore_mem>>)
      %dma_wait3A_270 = tpu.memref_slice %arg4[%mul3A_2] : memref<8192xf32, #tpu.memory_space<hbm>> -> memref<256xf32, #tpu.memory_space<hbm>>
      %dma_wait3A_271 = tpu.memref_slice %arg4[%mul3A_2] : memref<8192xf32, #tpu.memory_space<hbm>> -> memref<256xf32, #tpu.memory_space<hbm>>
      tpu.wait_dma2 semaphore(%run_scoped3A : memref<!tpu.dma_semaphore, #tpu.memory_space<semaphore_mem>>) src(%arg10 : memref<256xf32, #tpu.memory_space<vmem>>) dst(%dma_wait3A_271 : memref<256xf32, #tpu.memory_space<hbm>>)
      tpu.yield
    }) : () -> ()
    "tpu.region"() ({
      %run_scoped3A = tpu.sem_alloc : memref<!tpu.dma_semaphore, #tpu.memory_space<semaphore_mem>>
      %dma_start3A_268 = tpu.memref_slice %arg5[%mul3A_2] : memref<8192xf32, #tpu.memory_space<hbm>> -> memref<256xf32, #tpu.memory_space<hbm>>
      %dma_start3A_269 = tpu.memref_slice %arg5[%mul3A_2] : memref<8192xf32, #tpu.memory_space<hbm>> -> memref<256xf32, #tpu.memory_space<hbm>>
      tpu.enqueue_dma source(%arg11 : memref<256xf32, #tpu.memory_space<vmem>>) target(%dma_start3A_269 : memref<256xf32, #tpu.memory_space<hbm>>) target_semaphore(%run_scoped3A : memref<!tpu.dma_semaphore, #tpu.memory_space<semaphore_mem>>)
      %dma_wait3A_270 = tpu.memref_slice %arg5[%mul3A_2] : memref<8192xf32, #tpu.memory_space<hbm>> -> memref<256xf32, #tpu.memory_space<hbm>>
      %dma_wait3A_271 = tpu.memref_slice %arg5[%mul3A_2] : memref<8192xf32, #tpu.memory_space<hbm>> -> memref<256xf32, #tpu.memory_space<hbm>>
      tpu.wait_dma2 semaphore(%run_scoped3A : memref<!tpu.dma_semaphore, #tpu.memory_space<semaphore_mem>>) src(%arg11 : memref<256xf32, #tpu.memory_space<vmem>>) dst(%dma_wait3A_271 : memref<256xf32, #tpu.memory_space<hbm>>)
      tpu.yield
    }) : () -> ()
    return
  }
}

module attributes {stable_mosaic.version = 14 : i64} {
  func.func @_merge_body(%arg0: memref<1x8192xf32, #tpu.memory_space<vmem>>, %arg1: memref<1x8192xf32, #tpu.memory_space<vmem>>, %arg2: memref<1x8192xf32, #tpu.memory_space<vmem>>, %arg3: memref<1x8192xf32, #tpu.memory_space<vmem>>, %arg4: memref<1x8192xf32, #tpu.memory_space<vmem>>, %arg5: memref<1x8192xf32, #tpu.memory_space<vmem>>) attributes {dimension_semantics = [], scalar_prefetch = 0 : i64, scratch_operands = 0 : i64, tpu.core_type = #tpu.core_type<tc>} {
    %get3A = arith.constant 0 : index
    %get3A_0 = arith.constant 0 : index
    %get3A_1 = vector.load %arg0[%get3A, %get3A_0] : memref<1x8192xf32, #tpu.memory_space<vmem>>, vector<1x8192xf32>
    %get3A_2 = arith.constant 0 : index
    %get3A_3 = arith.constant 0 : index
    %get3A_4 = vector.load %arg2[%get3A_2, %get3A_3] : memref<1x8192xf32, #tpu.memory_space<vmem>>, vector<1x8192xf32>
    %gt3A = arith.cmpf ogt, %get3A_4, %get3A_1 : vector<1x8192xf32>
    %select_n3A = arith.select %gt3A, %get3A_4, %get3A_1 : vector<1x8192xi1>, vector<1x8192xf32>
    %get3A_5 = arith.constant 0 : index
    %get3A_6 = arith.constant 0 : index
    %get3A_7 = vector.load %arg3[%get3A_5, %get3A_6] : memref<1x8192xf32, #tpu.memory_space<vmem>>, vector<1x8192xf32>
    %get3A_8 = arith.constant 0 : index
    %get3A_9 = arith.constant 0 : index
    %get3A_10 = vector.load %arg1[%get3A_8, %get3A_9] : memref<1x8192xf32, #tpu.memory_space<vmem>>, vector<1x8192xf32>
    %select_n3A_11 = arith.select %gt3A, %get3A_7, %get3A_10 : vector<1x8192xi1>, vector<1x8192xf32>
    %swap3A = arith.constant 0 : index
    %swap3A_12 = arith.constant 0 : index
    %swap3A_13 = vector.load %arg4[%swap3A, %swap3A_12] : memref<1x8192xf32, #tpu.memory_space<vmem>>, vector<1x8192xf32>
    tpu.vector_store %arg4[%swap3A, %swap3A_12], %select_n3A {strides = array<i32>} : memref<1x8192xf32, #tpu.memory_space<vmem>>, vector<1x8192xf32>,
    %gt3A_14 = arith.constant 0.000000e+00 : f32
    %gt3A_15 = vector.broadcast %gt3A_14 : f32 to vector<1x8192xf32>
    %gt3A_16 = arith.cmpf ogt, %select_n3A, %gt3A_15 : vector<1x8192xf32>
    %jit3A = arith.constant 0.000000e+00 : f32
    %broadcast_in_dim3A = vector.broadcast %jit3A : f32 to vector<1x8192xf32>
    %select_n3A_17 = arith.select %gt3A_16, %select_n3A_11, %broadcast_in_dim3A : vector<1x8192xi1>, vector<1x8192xf32>
    %swap3A_18 = arith.constant 0 : index
    %swap3A_19 = arith.constant 0 : index
    %swap3A_20 = vector.load %arg5[%swap3A_18, %swap3A_19] : memref<1x8192xf32, #tpu.memory_space<vmem>>, vector<1x8192xf32>
    tpu.vector_store %arg5[%swap3A_18, %swap3A_19], %select_n3A_17 {strides = array<i32>} : memref<1x8192xf32, #tpu.memory_space<vmem>>, vector<1x8192xf32>,
    return
  }
}

module attributes {stable_mosaic.version = 14 : i64} {
  func.func @_tc_body(%arg0: i32, %arg1: memref<256x1xf32, #tpu.memory_space<vmem>>, %arg2: memref<256x8192xf32, #tpu.memory_space<vmem>>, %arg3: memref<1x8192xf32, #tpu.memory_space<vmem>>, %arg4: memref<1x8192xf32, #tpu.memory_space<vmem>>, %arg5: memref<8x8192xf32, #tpu.memory_space<vmem>>, %arg6: memref<8x8192xf32, #tpu.memory_space<vmem>>) attributes {dimension_semantics = [#tpu.dimension_semantics<arbitrary>], iteration_bounds = array<i64: 31>, scalar_prefetch = 0 : i64, scratch_operands = 2 : i64, tpu.core_type = #tpu.core_type<tc>, window_params = [{transform_indices = @transform_0, window_bounds = array<i64: 256, 1>}, {transform_indices = @transform_1, window_bounds = array<i64: 256, 8192>}, {pipeline_mode = #tpu.pipeline_mode<synchronous>, transform_indices = @transform_2, window_bounds = array<i64: 1, 8192>}, {pipeline_mode = #tpu.pipeline_mode<synchronous>, transform_indices = @transform_3, window_bounds = array<i64: 1, 8192>}]} {
    %eq3A = arith.constant 0 : i32
    %eq3A_0 = arith.cmpi eq, %arg0, %eq3A : i32
    %convert_element_type3A = arith.extui %eq3A_0 : i1 to i32
    %cond3A = arith.constant 0 : i32
    %cond3A_1 = arith.cmpi ne, %convert_element_type3A, %cond3A : i32
    scf.if %cond3A_1 {
      %broadcast_in_dim3A_931 = arith.constant -1.000000e+00 : f32
      %broadcast_in_dim3A_932 = vector.broadcast %broadcast_in_dim3A_931 : f32 to vector<8x8192xf32>
      %swap3A_933 = arith.constant 0 : index
      %swap3A_934 = arith.constant 0 : index
      %swap3A_935 = vector.load %arg5[%swap3A_933, %swap3A_934] : memref<8x8192xf32, #tpu.memory_space<vmem>>, vector<8x8192xf32>
      tpu.vector_store %arg5[%swap3A_933, %swap3A_934], %broadcast_in_dim3A_932 {strides = array<i32>} : memref<8x8192xf32, #tpu.memory_space<vmem>>, vector<8x8192xf32>,
      %broadcast_in_dim3A_936 = arith.constant 0.000000e+00 : f32
      %broadcast_in_dim3A_937 = vector.broadcast %broadcast_in_dim3A_936 : f32 to vector<8x8192xf32>
      %swap3A_938 = arith.constant 0 : index
      %swap3A_939 = arith.constant 0 : index
      %swap3A_940 = vector.load %arg6[%swap3A_938, %swap3A_939] : memref<8x8192xf32, #tpu.memory_space<vmem>>, vector<8x8192xf32>
      tpu.vector_store %arg6[%swap3A_938, %swap3A_939], %broadcast_in_dim3A_937 {strides = array<i32>} : memref<8x8192xf32, #tpu.memory_space<vmem>>, vector<8x8192xf32>,
    } else {
    }
    %mul3A = arith.constant 32 : i32
    %mul3A_2 = arith.muli %arg0, %mul3A : i32
    %convert_element_type3A_3 = arith.sitofp %mul3A_2 : i32 to f32
    %get3A = arith.constant 0 : index
    %get3A_4 = arith.constant 0 : index
    %get3A_5 = vector.load %arg2[%get3A, %get3A_4] : memref<256x8192xf32, #tpu.memory_space<vmem>>, vector<8x8192xf32>
    %get3A_6 = arith.constant 0 : index
    %get3A_7 = arith.constant 0 : index
    %get3A_8 = vector.load %arg1[%get3A_6, %get3A_7] : memref<256x1xf32, #tpu.memory_space<vmem>>, vector<8x1xf32>
    %mul3A_9 = vector.broadcast %get3A_8 : vector<8x1xf32> to vector<8x8192xf32>
    %mul3A_10 = arith.mulf %get3A_5, %mul3A_9 : vector<8x8192xf32>
    %get3A_11 = arith.constant 0 : index
    %get3A_12 = arith.constant 0 : index
    %get3A_13 = vector.load %arg5[%get3A_11, %get3A_12] : memref<8x8192xf32, #tpu.memory_space<vmem>>, vector<8x8192xf32>
    %gt3A = arith.cmpf ogt, %mul3A_10, %get3A_13 : vector<8x8192xf32>
    %get3A_14 = arith.constant 0 : index
    %get3A_15 = arith.constant 0 : index
    %get3A_16 = vector.load %arg5[%get3A_14, %get3A_15] : memref<8x8192xf32, #tpu.memory_space<vmem>>, vector<8x8192xf32>
    %select_n3A = arith.select %gt3A, %mul3A_10, %get3A_16 : vector<8x8192xi1>, vector<8x8192xf32>
    %swap3A = arith.constant 0 : index
    %swap3A_17 = arith.constant 0 : index
    %swap3A_18 = vector.load %arg5[%swap3A, %swap3A_17] : memref<8x8192xf32, #tpu.memory_space<vmem>>, vector<8x8192xf32>
    tpu.vector_store %arg5[%swap3A, %swap3A_17], %select_n3A {strides = array<i32>} : memref<8x8192xf32, #tpu.memory_space<vmem>>, vector<8x8192xf32>,
    %add3A = arith.constant 0.000000e+00 : f32
    %add3A_19 = arith.addf %convert_element_type3A_3, %add3A : f32
    %get3A_20 = arith.constant 0 : index
    %get3A_21 = arith.constant 0 : index
    %get3A_22 = vector.load %arg6[%get3A_20, %get3A_21] : memref<8x8192xf32, #tpu.memory_space<vmem>>, vector<8x8192xf32>
    %broadcast_in_dim3A = vector.broadcast %add3A_19 : f32 to vector<8x8192xf32>
    %select_n3A_23 = arith.select %gt3A, %broadcast_in_dim3A, %get3A_22 : vector<8x8192xi1>, vector<8x8192xf32>
    %swap3A_24 = arith.constant 0 : index
    %swap3A_25 = arith.constant 0 : index
    %swap3A_26 = vector.load %arg6[%swap3A_24, %swap3A_25] : memref<8x8192xf32, #tpu.memory_space<vmem>>, vector<8x8192xf32>
    tpu.vector_store %arg6[%swap3A_24, %swap3A_25], %select_n3A_23 {strides = array<i32>} : memref<8x8192xf32, #tpu.memory_space<vmem>>, vector<8x8192xf32>,
    %get3A_27 = arith.constant 8 : index
    %get3A_28 = arith.constant 0 : index
    %get3A_29 = vector.load %arg2[%get3A_27, %get3A_28] : memref<256x8192xf32, #tpu.memory_space<vmem>>, vector<8x8192xf32>
    %get3A_30 = arith.constant 8 : index
    %get3A_31 = arith.constant 0 : index
    %get3A_32 = vector.load %arg1[%get3A_30, %get3A_31] : memref<256x1xf32, #tpu.memory_space<vmem>>, vector<8x1xf32>
    %mul3A_33 = vector.broadcast %get3A_32 : vector<8x1xf32> to vector<8x8192xf32>
    %mul3A_34 = arith.mulf %get3A_29, %mul3A_33 : vector<8x8192xf32>
    %get3A_35 = arith.constant 0 : index
    %get3A_36 = arith.constant 0 : index
    %get3A_37 = vector.load %arg5[%get3A_35, %get3A_36] : memref<8x8192xf32, #tpu.memory_space<vmem>>, vector<8x8192xf32>
    %gt3A_38 = arith.cmpf ogt, %mul3A_34, %get3A_37 : vector<8x8192xf32>
    %get3A_39 = arith.constant 0 : index
    %get3A_40 = arith.constant 0 : index
    %get3A_41 = vector.load %arg5[%get3A_39, %get3A_40] : memref<8x8192xf32, #tpu.memory_space<vmem>>, vector<8x8192xf32>
    %select_n3A_42 = arith.select %gt3A_38, %mul3A_34, %get3A_41 : vector<8x8192xi1>, vector<8x8192xf32>
    %swap3A_43 = arith.constant 0 : index
    %swap3A_44 = arith.constant 0 : index
    %swap3A_45 = vector.load %arg5[%swap3A_43, %swap3A_44] : memref<8x8192xf32, #tpu.memory_space<vmem>>, vector<8x8192xf32>
    tpu.vector_store %arg5[%swap3A_43, %swap3A_44], %select_n3A_42 {strides = array<i32>} : memref<8x8192xf32, #tpu.memory_space<vmem>>, vector<8x8192xf32>,
    %add3A_46 = arith.constant 1.000000e+00 : f32
    %add3A_47 = arith.addf %convert_element_type3A_3, %add3A_46 : f32
    %get3A_48 = arith.constant 0 : index
    %get3A_49 = arith.constant 0 : index
    %get3A_50 = vector.load %arg6[%get3A_48, %get3A_49] : memref<8x8192xf32, #tpu.memory_space<vmem>>, vector<8x8192xf32>
    %broadcast_in_dim3A_51 = vector.broadcast %add3A_47 : f32 to vector<8x8192xf32>
    %select_n3A_52 = arith.select %gt3A_38, %broadcast_in_dim3A_51, %get3A_50 : vector<8x8192xi1>, vector<8x8192xf32>
    %swap3A_53 = arith.constant 0 : index
    %swap3A_54 = arith.constant 0 : index
    %swap3A_55 = vector.load %arg6[%swap3A_53, %swap3A_54] : memref<8x8192xf32, #tpu.memory_space<vmem>>, vector<8x8192xf32>
    tpu.vector_store %arg6[%swap3A_53, %swap3A_54], %select_n3A_52 {strides = array<i32>} : memref<8x8192xf32, #tpu.memory_space<vmem>>, vector<8x8192xf32>,
    %get3A_56 = arith.constant 16 : index
    %get3A_57 = arith.constant 0 : index
    %get3A_58 = vector.load %arg2[%get3A_56, %get3A_57] : memref<256x8192xf32, #tpu.memory_space<vmem>>, vector<8x8192xf32>
    %get3A_59 = arith.constant 16 : index
    %get3A_60 = arith.constant 0 : index
    %get3A_61 = vector.load %arg1[%get3A_59, %get3A_60] : memref<256x1xf32, #tpu.memory_space<vmem>>, vector<8x1xf32>
    %mul3A_62 = vector.broadcast %get3A_61 : vector<8x1xf32> to vector<8x8192xf32>
    %mul3A_63 = arith.mulf %get3A_58, %mul3A_62 : vector<8x8192xf32>
    %get3A_64 = arith.constant 0 : index
    %get3A_65 = arith.constant 0 : index
    %get3A_66 = vector.load %arg5[%get3A_64, %get3A_65] : memref<8x8192xf32, #tpu.memory_space<vmem>>, vector<8x8192xf32>
    %gt3A_67 = arith.cmpf ogt, %mul3A_63, %get3A_66 : vector<8x8192xf32>
    %get3A_68 = arith.constant 0 : index
    %get3A_69 = arith.constant 0 : index
    %get3A_70 = vector.load %arg5[%get3A_68, %get3A_69] : memref<8x8192xf32, #tpu.memory_space<vmem>>, vector<8x8192xf32>
    %select_n3A_71 = arith.select %gt3A_67, %mul3A_63, %get3A_70 : vector<8x8192xi1>, vector<8x8192xf32>
    %swap3A_72 = arith.constant 0 : index
    %swap3A_73 = arith.constant 0 : index
    %swap3A_74 = vector.load %arg5[%swap3A_72, %swap3A_73] : memref<8x8192xf32, #tpu.memory_space<vmem>>, vector<8x8192xf32>
    tpu.vector_store %arg5[%swap3A_72, %swap3A_73], %select_n3A_71 {strides = array<i32>} : memref<8x8192xf32, #tpu.memory_space<vmem>>, vector<8x8192xf32>,
    %add3A_75 = arith.constant 2.000000e+00 : f32
    %add3A_76 = arith.addf %convert_element_type3A_3, %add3A_75 : f32
    %get3A_77 = arith.constant 0 : index
    %get3A_78 = arith.constant 0 : index
    %get3A_79 = vector.load %arg6[%get3A_77, %get3A_78] : memref<8x8192xf32, #tpu.memory_space<vmem>>, vector<8x8192xf32>
    %broadcast_in_dim3A_80 = vector.broadcast %add3A_76 : f32 to vector<8x8192xf32>
    %select_n3A_81 = arith.select %gt3A_67, %broadcast_in_dim3A_80, %get3A_79 : vector<8x8192xi1>, vector<8x8192xf32>
    %swap3A_82 = arith.constant 0 : index
    %swap3A_83 = arith.constant 0 : index
    %swap3A_84 = vector.load %arg6[%swap3A_82, %swap3A_83] : memref<8x8192xf32, #tpu.memory_space<vmem>>, vector<8x8192xf32>
    tpu.vector_store %arg6[%swap3A_82, %swap3A_83], %select_n3A_81 {strides = array<i32>} : memref<8x8192xf32, #tpu.memory_space<vmem>>, vector<8x8192xf32>,
    %get3A_85 = arith.constant 24 : index
    %get3A_86 = arith.constant 0 : index
    %get3A_87 = vector.load %arg2[%get3A_85, %get3A_86] : memref<256x8192xf32, #tpu.memory_space<vmem>>, vector<8x8192xf32>
    %get3A_88 = arith.constant 24 : index
    %get3A_89 = arith.constant 0 : index
    %get3A_90 = vector.load %arg1[%get3A_88, %get3A_89] : memref<256x1xf32, #tpu.memory_space<vmem>>, vector<8x1xf32>
    %mul3A_91 = vector.broadcast %get3A_90 : vector<8x1xf32> to vector<8x8192xf32>
    %mul3A_92 = arith.mulf %get3A_87, %mul3A_91 : vector<8x8192xf32>
    %get3A_93 = arith.constant 0 : index
    %get3A_94 = arith.constant 0 : index
    %get3A_95 = vector.load %arg5[%get3A_93, %get3A_94] : memref<8x8192xf32, #tpu.memory_space<vmem>>, vector<8x8192xf32>
    %gt3A_96 = arith.cmpf ogt, %mul3A_92, %get3A_95 : vector<8x8192xf32>
    %get3A_97 = arith.constant 0 : index
    %get3A_98 = arith.constant 0 : index
    %get3A_99 = vector.load %arg5[%get3A_97, %get3A_98] : memref<8x8192xf32, #tpu.memory_space<vmem>>, vector<8x8192xf32>
    %select_n3A_100 = arith.select %gt3A_96, %mul3A_92, %get3A_99 : vector<8x8192xi1>, vector<8x8192xf32>
    %swap3A_101 = arith.constant 0 : index
    %swap3A_102 = arith.constant 0 : index
    %swap3A_103 = vector.load %arg5[%swap3A_101, %swap3A_102] : memref<8x8192xf32, #tpu.memory_space<vmem>>, vector<8x8192xf32>
    tpu.vector_store %arg5[%swap3A_101, %swap3A_102], %select_n3A_100 {strides = array<i32>} : memref<8x8192xf32, #tpu.memory_space<vmem>>, vector<8x8192xf32>,
    %add3A_104 = arith.constant 3.000000e+00 : f32
    %add3A_105 = arith.addf %convert_element_type3A_3, %add3A_104 : f32
    %get3A_106 = arith.constant 0 : index
    %get3A_107 = arith.constant 0 : index
    %get3A_108 = vector.load %arg6[%get3A_106, %get3A_107] : memref<8x8192xf32, #tpu.memory_space<vmem>>, vector<8x8192xf32>
    %broadcast_in_dim3A_109 = vector.broadcast %add3A_105 : f32 to vector<8x8192xf32>
    %select_n3A_110 = arith.select %gt3A_96, %broadcast_in_dim3A_109, %get3A_108 : vector<8x8192xi1>, vector<8x8192xf32>
    %swap3A_111 = arith.constant 0 : index
    %swap3A_112 = arith.constant 0 : index
    %swap3A_113 = vector.load %arg6[%swap3A_111, %swap3A_112] : memref<8x8192xf32, #tpu.memory_space<vmem>>, vector<8x8192xf32>
    tpu.vector_store %arg6[%swap3A_111, %swap3A_112], %select_n3A_110 {strides = array<i32>} : memref<8x8192xf32, #tpu.memory_space<vmem>>, vector<8x8192xf32>,
    %get3A_114 = arith.constant 32 : index
    %get3A_115 = arith.constant 0 : index
    %get3A_116 = vector.load %arg2[%get3A_114, %get3A_115] : memref<256x8192xf32, #tpu.memory_space<vmem>>, vector<8x8192xf32>
    %get3A_117 = arith.constant 32 : index
    %get3A_118 = arith.constant 0 : index
    %get3A_119 = vector.load %arg1[%get3A_117, %get3A_118] : memref<256x1xf32, #tpu.memory_space<vmem>>, vector<8x1xf32>
    %mul3A_120 = vector.broadcast %get3A_119 : vector<8x1xf32> to vector<8x8192xf32>
    %mul3A_121 = arith.mulf %get3A_116, %mul3A_120 : vector<8x8192xf32>
    %get3A_122 = arith.constant 0 : index
    %get3A_123 = arith.constant 0 : index
    %get3A_124 = vector.load %arg5[%get3A_122, %get3A_123] : memref<8x8192xf32, #tpu.memory_space<vmem>>, vector<8x8192xf32>
    %gt3A_125 = arith.cmpf ogt, %mul3A_121, %get3A_124 : vector<8x8192xf32>
    %get3A_126 = arith.constant 0 : index
    %get3A_127 = arith.constant 0 : index
    %get3A_128 = vector.load %arg5[%get3A_126, %get3A_127] : memref<8x8192xf32, #tpu.memory_space<vmem>>, vector<8x8192xf32>
    %select_n3A_129 = arith.select %gt3A_125, %mul3A_121, %get3A_128 : vector<8x8192xi1>, vector<8x8192xf32>
    %swap3A_130 = arith.constant 0 : index
    %swap3A_131 = arith.constant 0 : index
    %swap3A_132 = vector.load %arg5[%swap3A_130, %swap3A_131] : memref<8x8192xf32, #tpu.memory_space<vmem>>, vector<8x8192xf32>
    tpu.vector_store %arg5[%swap3A_130, %swap3A_131], %select_n3A_129 {strides = array<i32>} : memref<8x8192xf32, #tpu.memory_space<vmem>>, vector<8x8192xf32>,
    %add3A_133 = arith.constant 4.000000e+00 : f32
    %add3A_134 = arith.addf %convert_element_type3A_3, %add3A_133 : f32
    %get3A_135 = arith.constant 0 : index
    %get3A_136 = arith.constant 0 : index
    %get3A_137 = vector.load %arg6[%get3A_135, %get3A_136] : memref<8x8192xf32, #tpu.memory_space<vmem>>, vector<8x8192xf32>
    %broadcast_in_dim3A_138 = vector.broadcast %add3A_134 : f32 to vector<8x8192xf32>
    %select_n3A_139 = arith.select %gt3A_125, %broadcast_in_dim3A_138, %get3A_137 : vector<8x8192xi1>, vector<8x8192xf32>
    %swap3A_140 = arith.constant 0 : index
    %swap3A_141 = arith.constant 0 : index
    %swap3A_142 = vector.load %arg6[%swap3A_140, %swap3A_141] : memref<8x8192xf32, #tpu.memory_space<vmem>>, vector<8x8192xf32>
    tpu.vector_store %arg6[%swap3A_140, %swap3A_141], %select_n3A_139 {strides = array<i32>} : memref<8x8192xf32, #tpu.memory_space<vmem>>, vector<8x8192xf32>,
    %get3A_143 = arith.constant 40 : index
    %get3A_144 = arith.constant 0 : index
    %get3A_145 = vector.load %arg2[%get3A_143, %get3A_144] : memref<256x8192xf32, #tpu.memory_space<vmem>>, vector<8x8192xf32>
    %get3A_146 = arith.constant 40 : index
    %get3A_147 = arith.constant 0 : index
    %get3A_148 = vector.load %arg1[%get3A_146, %get3A_147] : memref<256x1xf32, #tpu.memory_space<vmem>>, vector<8x1xf32>
    %mul3A_149 = vector.broadcast %get3A_148 : vector<8x1xf32> to vector<8x8192xf32>
    %mul3A_150 = arith.mulf %get3A_145, %mul3A_149 : vector<8x8192xf32>
    %get3A_151 = arith.constant 0 : index
    %get3A_152 = arith.constant 0 : index
    %get3A_153 = vector.load %arg5[%get3A_151, %get3A_152] : memref<8x8192xf32, #tpu.memory_space<vmem>>, vector<8x8192xf32>
    %gt3A_154 = arith.cmpf ogt, %mul3A_150, %get3A_153 : vector<8x8192xf32>
    %get3A_155 = arith.constant 0 : index
    %get3A_156 = arith.constant 0 : index
    %get3A_157 = vector.load %arg5[%get3A_155, %get3A_156] : memref<8x8192xf32, #tpu.memory_space<vmem>>, vector<8x8192xf32>
    %select_n3A_158 = arith.select %gt3A_154, %mul3A_150, %get3A_157 : vector<8x8192xi1>, vector<8x8192xf32>
    %swap3A_159 = arith.constant 0 : index
    %swap3A_160 = arith.constant 0 : index
    %swap3A_161 = vector.load %arg5[%swap3A_159, %swap3A_160] : memref<8x8192xf32, #tpu.memory_space<vmem>>, vector<8x8192xf32>
    tpu.vector_store %arg5[%swap3A_159, %swap3A_160], %select_n3A_158 {strides = array<i32>} : memref<8x8192xf32, #tpu.memory_space<vmem>>, vector<8x8192xf32>,
    %add3A_162 = arith.constant 5.000000e+00 : f32
    %add3A_163 = arith.addf %convert_element_type3A_3, %add3A_162 : f32
    %get3A_164 = arith.constant 0 : index
    %get3A_165 = arith.constant 0 : index
    %get3A_166 = vector.load %arg6[%get3A_164, %get3A_165] : memref<8x8192xf32, #tpu.memory_space<vmem>>, vector<8x8192xf32>
    %broadcast_in_dim3A_167 = vector.broadcast %add3A_163 : f32 to vector<8x8192xf32>
    %select_n3A_168 = arith.select %gt3A_154, %broadcast_in_dim3A_167, %get3A_166 : vector<8x8192xi1>, vector<8x8192xf32>
    %swap3A_169 = arith.constant 0 : index
    %swap3A_170 = arith.constant 0 : index
    %swap3A_171 = vector.load %arg6[%swap3A_169, %swap3A_170] : memref<8x8192xf32, #tpu.memory_space<vmem>>, vector<8x8192xf32>
    tpu.vector_store %arg6[%swap3A_169, %swap3A_170], %select_n3A_168 {strides = array<i32>} : memref<8x8192xf32, #tpu.memory_space<vmem>>, vector<8x8192xf32>,
    %get3A_172 = arith.constant 48 : index
    %get3A_173 = arith.constant 0 : index
    %get3A_174 = vector.load %arg2[%get3A_172, %get3A_173] : memref<256x8192xf32, #tpu.memory_space<vmem>>, vector<8x8192xf32>
    %get3A_175 = arith.constant 48 : index
    %get3A_176 = arith.constant 0 : index
    %get3A_177 = vector.load %arg1[%get3A_175, %get3A_176] : memref<256x1xf32, #tpu.memory_space<vmem>>, vector<8x1xf32>
    %mul3A_178 = vector.broadcast %get3A_177 : vector<8x1xf32> to vector<8x8192xf32>
    %mul3A_179 = arith.mulf %get3A_174, %mul3A_178 : vector<8x8192xf32>
    %get3A_180 = arith.constant 0 : index
    %get3A_181 = arith.constant 0 : index
    %get3A_182 = vector.load %arg5[%get3A_180, %get3A_181] : memref<8x8192xf32, #tpu.memory_space<vmem>>, vector<8x8192xf32>
    %gt3A_183 = arith.cmpf ogt, %mul3A_179, %get3A_182 : vector<8x8192xf32>
    %get3A_184 = arith.constant 0 : index
    %get3A_185 = arith.constant 0 : index
    %get3A_186 = vector.load %arg5[%get3A_184, %get3A_185] : memref<8x8192xf32, #tpu.memory_space<vmem>>, vector<8x8192xf32>
    %select_n3A_187 = arith.select %gt3A_183, %mul3A_179, %get3A_186 : vector<8x8192xi1>, vector<8x8192xf32>
    %swap3A_188 = arith.constant 0 : index
    %swap3A_189 = arith.constant 0 : index
    %swap3A_190 = vector.load %arg5[%swap3A_188, %swap3A_189] : memref<8x8192xf32, #tpu.memory_space<vmem>>, vector<8x8192xf32>
    tpu.vector_store %arg5[%swap3A_188, %swap3A_189], %select_n3A_187 {strides = array<i32>} : memref<8x8192xf32, #tpu.memory_space<vmem>>, vector<8x8192xf32>,
    %add3A_191 = arith.constant 6.000000e+00 : f32
    %add3A_192 = arith.addf %convert_element_type3A_3, %add3A_191 : f32
    %get3A_193 = arith.constant 0 : index
    %get3A_194 = arith.constant 0 : index
    %get3A_195 = vector.load %arg6[%get3A_193, %get3A_194] : memref<8x8192xf32, #tpu.memory_space<vmem>>, vector<8x8192xf32>
    %broadcast_in_dim3A_196 = vector.broadcast %add3A_192 : f32 to vector<8x8192xf32>
    %select_n3A_197 = arith.select %gt3A_183, %broadcast_in_dim3A_196, %get3A_195 : vector<8x8192xi1>, vector<8x8192xf32>
    %swap3A_198 = arith.constant 0 : index
    %swap3A_199 = arith.constant 0 : index
    %swap3A_200 = vector.load %arg6[%swap3A_198, %swap3A_199] : memref<8x8192xf32, #tpu.memory_space<vmem>>, vector<8x8192xf32>
    tpu.vector_store %arg6[%swap3A_198, %swap3A_199], %select_n3A_197 {strides = array<i32>} : memref<8x8192xf32, #tpu.memory_space<vmem>>, vector<8x8192xf32>,
    %get3A_201 = arith.constant 56 : index
    %get3A_202 = arith.constant 0 : index
    %get3A_203 = vector.load %arg2[%get3A_201, %get3A_202] : memref<256x8192xf32, #tpu.memory_space<vmem>>, vector<8x8192xf32>
    %get3A_204 = arith.constant 56 : index
    %get3A_205 = arith.constant 0 : index
    %get3A_206 = vector.load %arg1[%get3A_204, %get3A_205] : memref<256x1xf32, #tpu.memory_space<vmem>>, vector<8x1xf32>
    %mul3A_207 = vector.broadcast %get3A_206 : vector<8x1xf32> to vector<8x8192xf32>
    %mul3A_208 = arith.mulf %get3A_203, %mul3A_207 : vector<8x8192xf32>
    %get3A_209 = arith.constant 0 : index
    %get3A_210 = arith.constant 0 : index
    %get3A_211 = vector.load %arg5[%get3A_209, %get3A_210] : memref<8x8192xf32, #tpu.memory_space<vmem>>, vector<8x8192xf32>
    %gt3A_212 = arith.cmpf ogt, %mul3A_208, %get3A_211 : vector<8x8192xf32>
    %get3A_213 = arith.constant 0 : index
    %get3A_214 = arith.constant 0 : index
    %get3A_215 = vector.load %arg5[%get3A_213, %get3A_214] : memref<8x8192xf32, #tpu.memory_space<vmem>>, vector<8x8192xf32>
    %select_n3A_216 = arith.select %gt3A_212, %mul3A_208, %get3A_215 : vector<8x8192xi1>, vector<8x8192xf32>
    %swap3A_217 = arith.constant 0 : index
    %swap3A_218 = arith.constant 0 : index
    %swap3A_219 = vector.load %arg5[%swap3A_217, %swap3A_218] : memref<8x8192xf32, #tpu.memory_space<vmem>>, vector<8x8192xf32>
    tpu.vector_store %arg5[%swap3A_217, %swap3A_218], %select_n3A_216 {strides = array<i32>} : memref<8x8192xf32, #tpu.memory_space<vmem>>, vector<8x8192xf32>,
    %add3A_220 = arith.constant 7.000000e+00 : f32
    %add3A_221 = arith.addf %convert_element_type3A_3, %add3A_220 : f32
    %get3A_222 = arith.constant 0 : index
    %get3A_223 = arith.constant 0 : index
    %get3A_224 = vector.load %arg6[%get3A_222, %get3A_223] : memref<8x8192xf32, #tpu.memory_space<vmem>>, vector<8x8192xf32>
    %broadcast_in_dim3A_225 = vector.broadcast %add3A_221 : f32 to vector<8x8192xf32>
    %select_n3A_226 = arith.select %gt3A_212, %broadcast_in_dim3A_225, %get3A_224 : vector<8x8192xi1>, vector<8x8192xf32>
    %swap3A_227 = arith.constant 0 : index
    %swap3A_228 = arith.constant 0 : index
    %swap3A_229 = vector.load %arg6[%swap3A_227, %swap3A_228] : memref<8x8192xf32, #tpu.memory_space<vmem>>, vector<8x8192xf32>
    tpu.vector_store %arg6[%swap3A_227, %swap3A_228], %select_n3A_226 {strides = array<i32>} : memref<8x8192xf32, #tpu.memory_space<vmem>>, vector<8x8192xf32>,
    %get3A_230 = arith.constant 64 : index
    %get3A_231 = arith.constant 0 : index
    %get3A_232 = vector.load %arg2[%get3A_230, %get3A_231] : memref<256x8192xf32, #tpu.memory_space<vmem>>, vector<8x8192xf32>
    %get3A_233 = arith.constant 64 : index
    %get3A_234 = arith.constant 0 : index
    %get3A_235 = vector.load %arg1[%get3A_233, %get3A_234] : memref<256x1xf32, #tpu.memory_space<vmem>>, vector<8x1xf32>
    %mul3A_236 = vector.broadcast %get3A_235 : vector<8x1xf32> to vector<8x8192xf32>
    %mul3A_237 = arith.mulf %get3A_232, %mul3A_236 : vector<8x8192xf32>
    %get3A_238 = arith.constant 0 : index
    %get3A_239 = arith.constant 0 : index
    %get3A_240 = vector.load %arg5[%get3A_238, %get3A_239] : memref<8x8192xf32, #tpu.memory_space<vmem>>, vector<8x8192xf32>
    %gt3A_241 = arith.cmpf ogt, %mul3A_237, %get3A_240 : vector<8x8192xf32>
    %get3A_242 = arith.constant 0 : index
    %get3A_243 = arith.constant 0 : index
    %get3A_244 = vector.load %arg5[%get3A_242, %get3A_243] : memref<8x8192xf32, #tpu.memory_space<vmem>>, vector<8x8192xf32>
    %select_n3A_245 = arith.select %gt3A_241, %mul3A_237, %get3A_244 : vector<8x8192xi1>, vector<8x8192xf32>
    %swap3A_246 = arith.constant 0 : index
    %swap3A_247 = arith.constant 0 : index
    %swap3A_248 = vector.load %arg5[%swap3A_246, %swap3A_247] : memref<8x8192xf32, #tpu.memory_space<vmem>>, vector<8x8192xf32>
    tpu.vector_store %arg5[%swap3A_246, %swap3A_247], %select_n3A_245 {strides = array<i32>} : memref<8x8192xf32, #tpu.memory_space<vmem>>, vector<8x8192xf32>,
    %add3A_249 = arith.constant 8.000000e+00 : f32
    %add3A_250 = arith.addf %convert_element_type3A_3, %add3A_249 : f32
    %get3A_251 = arith.constant 0 : index
    %get3A_252 = arith.constant 0 : index
    %get3A_253 = vector.load %arg6[%get3A_251, %get3A_252] : memref<8x8192xf32, #tpu.memory_space<vmem>>, vector<8x8192xf32>
    %broadcast_in_dim3A_254 = vector.broadcast %add3A_250 : f32 to vector<8x8192xf32>
    %select_n3A_255 = arith.select %gt3A_241, %broadcast_in_dim3A_254, %get3A_253 : vector<8x8192xi1>, vector<8x8192xf32>
    %swap3A_256 = arith.constant 0 : index
    %swap3A_257 = arith.constant 0 : index
    %swap3A_258 = vector.load %arg6[%swap3A_256, %swap3A_257] : memref<8x8192xf32, #tpu.memory_space<vmem>>, vector<8x8192xf32>
    tpu.vector_store %arg6[%swap3A_256, %swap3A_257], %select_n3A_255 {strides = array<i32>} : memref<8x8192xf32, #tpu.memory_space<vmem>>, vector<8x8192xf32>,
    %get3A_259 = arith.constant 72 : index
    %get3A_260 = arith.constant 0 : index
    %get3A_261 = vector.load %arg2[%get3A_259, %get3A_260] : memref<256x8192xf32, #tpu.memory_space<vmem>>, vector<8x8192xf32>
    %get3A_262 = arith.constant 72 : index
    %get3A_263 = arith.constant 0 : index
    %get3A_264 = vector.load %arg1[%get3A_262, %get3A_263] : memref<256x1xf32, #tpu.memory_space<vmem>>, vector<8x1xf32>
    %mul3A_265 = vector.broadcast %get3A_264 : vector<8x1xf32> to vector<8x8192xf32>
    %mul3A_266 = arith.mulf %get3A_261, %mul3A_265 : vector<8x8192xf32>
    %get3A_267 = arith.constant 0 : index
    %get3A_268 = arith.constant 0 : index
    %get3A_269 = vector.load %arg5[%get3A_267, %get3A_268] : memref<8x8192xf32, #tpu.memory_space<vmem>>, vector<8x8192xf32>
    %gt3A_270 = arith.cmpf ogt, %mul3A_266, %get3A_269 : vector<8x8192xf32>
    %get3A_271 = arith.constant 0 : index
    %get3A_272 = arith.constant 0 : index
    %get3A_273 = vector.load %arg5[%get3A_271, %get3A_272] : memref<8x8192xf32, #tpu.memory_space<vmem>>, vector<8x8192xf32>
    %select_n3A_274 = arith.select %gt3A_270, %mul3A_266, %get3A_273 : vector<8x8192xi1>, vector<8x8192xf32>
    %swap3A_275 = arith.constant 0 : index
    %swap3A_276 = arith.constant 0 : index
    %swap3A_277 = vector.load %arg5[%swap3A_275, %swap3A_276] : memref<8x8192xf32, #tpu.memory_space<vmem>>, vector<8x8192xf32>
    tpu.vector_store %arg5[%swap3A_275, %swap3A_276], %select_n3A_274 {strides = array<i32>} : memref<8x8192xf32, #tpu.memory_space<vmem>>, vector<8x8192xf32>,
    %add3A_278 = arith.constant 9.000000e+00 : f32
    %add3A_279 = arith.addf %convert_element_type3A_3, %add3A_278 : f32
    %get3A_280 = arith.constant 0 : index
    %get3A_281 = arith.constant 0 : index
    %get3A_282 = vector.load %arg6[%get3A_280, %get3A_281] : memref<8x8192xf32, #tpu.memory_space<vmem>>, vector<8x8192xf32>
    %broadcast_in_dim3A_283 = vector.broadcast %add3A_279 : f32 to vector<8x8192xf32>
    %select_n3A_284 = arith.select %gt3A_270, %broadcast_in_dim3A_283, %get3A_282 : vector<8x8192xi1>, vector<8x8192xf32>
    %swap3A_285 = arith.constant 0 : index
    %swap3A_286 = arith.constant 0 : index
    %swap3A_287 = vector.load %arg6[%swap3A_285, %swap3A_286] : memref<8x8192xf32, #tpu.memory_space<vmem>>, vector<8x8192xf32>
    tpu.vector_store %arg6[%swap3A_285, %swap3A_286], %select_n3A_284 {strides = array<i32>} : memref<8x8192xf32, #tpu.memory_space<vmem>>, vector<8x8192xf32>,
    %get3A_288 = arith.constant 80 : index
    %get3A_289 = arith.constant 0 : index
    %get3A_290 = vector.load %arg2[%get3A_288, %get3A_289] : memref<256x8192xf32, #tpu.memory_space<vmem>>, vector<8x8192xf32>
    %get3A_291 = arith.constant 80 : index
    %get3A_292 = arith.constant 0 : index
    %get3A_293 = vector.load %arg1[%get3A_291, %get3A_292] : memref<256x1xf32, #tpu.memory_space<vmem>>, vector<8x1xf32>
    %mul3A_294 = vector.broadcast %get3A_293 : vector<8x1xf32> to vector<8x8192xf32>
    %mul3A_295 = arith.mulf %get3A_290, %mul3A_294 : vector<8x8192xf32>
    %get3A_296 = arith.constant 0 : index
    %get3A_297 = arith.constant 0 : index
    %get3A_298 = vector.load %arg5[%get3A_296, %get3A_297] : memref<8x8192xf32, #tpu.memory_space<vmem>>, vector<8x8192xf32>
    %gt3A_299 = arith.cmpf ogt, %mul3A_295, %get3A_298 : vector<8x8192xf32>
    %get3A_300 = arith.constant 0 : index
    %get3A_301 = arith.constant 0 : index
    %get3A_302 = vector.load %arg5[%get3A_300, %get3A_301] : memref<8x8192xf32, #tpu.memory_space<vmem>>, vector<8x8192xf32>
    %select_n3A_303 = arith.select %gt3A_299, %mul3A_295, %get3A_302 : vector<8x8192xi1>, vector<8x8192xf32>
    %swap3A_304 = arith.constant 0 : index
    %swap3A_305 = arith.constant 0 : index
    %swap3A_306 = vector.load %arg5[%swap3A_304, %swap3A_305] : memref<8x8192xf32, #tpu.memory_space<vmem>>, vector<8x8192xf32>
    tpu.vector_store %arg5[%swap3A_304, %swap3A_305], %select_n3A_303 {strides = array<i32>} : memref<8x8192xf32, #tpu.memory_space<vmem>>, vector<8x8192xf32>,
    %add3A_307 = arith.constant 1.000000e+01 : f32
    %add3A_308 = arith.addf %convert_element_type3A_3, %add3A_307 : f32
    %get3A_309 = arith.constant 0 : index
    %get3A_310 = arith.constant 0 : index
    %get3A_311 = vector.load %arg6[%get3A_309, %get3A_310] : memref<8x8192xf32, #tpu.memory_space<vmem>>, vector<8x8192xf32>
    %broadcast_in_dim3A_312 = vector.broadcast %add3A_308 : f32 to vector<8x8192xf32>
    %select_n3A_313 = arith.select %gt3A_299, %broadcast_in_dim3A_312, %get3A_311 : vector<8x8192xi1>, vector<8x8192xf32>
    %swap3A_314 = arith.constant 0 : index
    %swap3A_315 = arith.constant 0 : index
    %swap3A_316 = vector.load %arg6[%swap3A_314, %swap3A_315] : memref<8x8192xf32, #tpu.memory_space<vmem>>, vector<8x8192xf32>
    tpu.vector_store %arg6[%swap3A_314, %swap3A_315], %select_n3A_313 {strides = array<i32>} : memref<8x8192xf32, #tpu.memory_space<vmem>>, vector<8x8192xf32>,
    %get3A_317 = arith.constant 88 : index
    %get3A_318 = arith.constant 0 : index
    %get3A_319 = vector.load %arg2[%get3A_317, %get3A_318] : memref<256x8192xf32, #tpu.memory_space<vmem>>, vector<8x8192xf32>
    %get3A_320 = arith.constant 88 : index
    %get3A_321 = arith.constant 0 : index
    %get3A_322 = vector.load %arg1[%get3A_320, %get3A_321] : memref<256x1xf32, #tpu.memory_space<vmem>>, vector<8x1xf32>
    %mul3A_323 = vector.broadcast %get3A_322 : vector<8x1xf32> to vector<8x8192xf32>
    %mul3A_324 = arith.mulf %get3A_319, %mul3A_323 : vector<8x8192xf32>
    %get3A_325 = arith.constant 0 : index
    %get3A_326 = arith.constant 0 : index
    %get3A_327 = vector.load %arg5[%get3A_325, %get3A_326] : memref<8x8192xf32, #tpu.memory_space<vmem>>, vector<8x8192xf32>
    %gt3A_328 = arith.cmpf ogt, %mul3A_324, %get3A_327 : vector<8x8192xf32>
    %get3A_329 = arith.constant 0 : index
    %get3A_330 = arith.constant 0 : index
    %get3A_331 = vector.load %arg5[%get3A_329, %get3A_330] : memref<8x8192xf32, #tpu.memory_space<vmem>>, vector<8x8192xf32>
    %select_n3A_332 = arith.select %gt3A_328, %mul3A_324, %get3A_331 : vector<8x8192xi1>, vector<8x8192xf32>
    %swap3A_333 = arith.constant 0 : index
    %swap3A_334 = arith.constant 0 : index
    %swap3A_335 = vector.load %arg5[%swap3A_333, %swap3A_334] : memref<8x8192xf32, #tpu.memory_space<vmem>>, vector<8x8192xf32>
    tpu.vector_store %arg5[%swap3A_333, %swap3A_334], %select_n3A_332 {strides = array<i32>} : memref<8x8192xf32, #tpu.memory_space<vmem>>, vector<8x8192xf32>,
    %add3A_336 = arith.constant 1.100000e+01 : f32
    %add3A_337 = arith.addf %convert_element_type3A_3, %add3A_336 : f32
    %get3A_338 = arith.constant 0 : index
    %get3A_339 = arith.constant 0 : index
    %get3A_340 = vector.load %arg6[%get3A_338, %get3A_339] : memref<8x8192xf32, #tpu.memory_space<vmem>>, vector<8x8192xf32>
    %broadcast_in_dim3A_341 = vector.broadcast %add3A_337 : f32 to vector<8x8192xf32>
    %select_n3A_342 = arith.select %gt3A_328, %broadcast_in_dim3A_341, %get3A_340 : vector<8x8192xi1>, vector<8x8192xf32>
    %swap3A_343 = arith.constant 0 : index
    %swap3A_344 = arith.constant 0 : index
    %swap3A_345 = vector.load %arg6[%swap3A_343, %swap3A_344] : memref<8x8192xf32, #tpu.memory_space<vmem>>, vector<8x8192xf32>
    tpu.vector_store %arg6[%swap3A_343, %swap3A_344], %select_n3A_342 {strides = array<i32>} : memref<8x8192xf32, #tpu.memory_space<vmem>>, vector<8x8192xf32>,
    %get3A_346 = arith.constant 96 : index
    %get3A_347 = arith.constant 0 : index
    %get3A_348 = vector.load %arg2[%get3A_346, %get3A_347] : memref<256x8192xf32, #tpu.memory_space<vmem>>, vector<8x8192xf32>
    %get3A_349 = arith.constant 96 : index
    %get3A_350 = arith.constant 0 : index
    %get3A_351 = vector.load %arg1[%get3A_349, %get3A_350] : memref<256x1xf32, #tpu.memory_space<vmem>>, vector<8x1xf32>
    %mul3A_352 = vector.broadcast %get3A_351 : vector<8x1xf32> to vector<8x8192xf32>
    %mul3A_353 = arith.mulf %get3A_348, %mul3A_352 : vector<8x8192xf32>
    %get3A_354 = arith.constant 0 : index
    %get3A_355 = arith.constant 0 : index
    %get3A_356 = vector.load %arg5[%get3A_354, %get3A_355] : memref<8x8192xf32, #tpu.memory_space<vmem>>, vector<8x8192xf32>
    %gt3A_357 = arith.cmpf ogt, %mul3A_353, %get3A_356 : vector<8x8192xf32>
    %get3A_358 = arith.constant 0 : index
    %get3A_359 = arith.constant 0 : index
    %get3A_360 = vector.load %arg5[%get3A_358, %get3A_359] : memref<8x8192xf32, #tpu.memory_space<vmem>>, vector<8x8192xf32>
    %select_n3A_361 = arith.select %gt3A_357, %mul3A_353, %get3A_360 : vector<8x8192xi1>, vector<8x8192xf32>
    %swap3A_362 = arith.constant 0 : index
    %swap3A_363 = arith.constant 0 : index
    %swap3A_364 = vector.load %arg5[%swap3A_362, %swap3A_363] : memref<8x8192xf32, #tpu.memory_space<vmem>>, vector<8x8192xf32>
    tpu.vector_store %arg5[%swap3A_362, %swap3A_363], %select_n3A_361 {strides = array<i32>} : memref<8x8192xf32, #tpu.memory_space<vmem>>, vector<8x8192xf32>,
    %add3A_365 = arith.constant 1.200000e+01 : f32
    %add3A_366 = arith.addf %convert_element_type3A_3, %add3A_365 : f32
    %get3A_367 = arith.constant 0 : index
    %get3A_368 = arith.constant 0 : index
    %get3A_369 = vector.load %arg6[%get3A_367, %get3A_368] : memref<8x8192xf32, #tpu.memory_space<vmem>>, vector<8x8192xf32>
    %broadcast_in_dim3A_370 = vector.broadcast %add3A_366 : f32 to vector<8x8192xf32>
    %select_n3A_371 = arith.select %gt3A_357, %broadcast_in_dim3A_370, %get3A_369 : vector<8x8192xi1>, vector<8x8192xf32>
    %swap3A_372 = arith.constant 0 : index
    %swap3A_373 = arith.constant 0 : index
    %swap3A_374 = vector.load %arg6[%swap3A_372, %swap3A_373] : memref<8x8192xf32, #tpu.memory_space<vmem>>, vector<8x8192xf32>
    tpu.vector_store %arg6[%swap3A_372, %swap3A_373], %select_n3A_371 {strides = array<i32>} : memref<8x8192xf32, #tpu.memory_space<vmem>>, vector<8x8192xf32>,
    %get3A_375 = arith.constant 104 : index
    %get3A_376 = arith.constant 0 : index
    %get3A_377 = vector.load %arg2[%get3A_375, %get3A_376] : memref<256x8192xf32, #tpu.memory_space<vmem>>, vector<8x8192xf32>
    %get3A_378 = arith.constant 104 : index
    %get3A_379 = arith.constant 0 : index
    %get3A_380 = vector.load %arg1[%get3A_378, %get3A_379] : memref<256x1xf32, #tpu.memory_space<vmem>>, vector<8x1xf32>
    %mul3A_381 = vector.broadcast %get3A_380 : vector<8x1xf32> to vector<8x8192xf32>
    %mul3A_382 = arith.mulf %get3A_377, %mul3A_381 : vector<8x8192xf32>
    %get3A_383 = arith.constant 0 : index
    %get3A_384 = arith.constant 0 : index
    %get3A_385 = vector.load %arg5[%get3A_383, %get3A_384] : memref<8x8192xf32, #tpu.memory_space<vmem>>, vector<8x8192xf32>
    %gt3A_386 = arith.cmpf ogt, %mul3A_382, %get3A_385 : vector<8x8192xf32>
    %get3A_387 = arith.constant 0 : index
    %get3A_388 = arith.constant 0 : index
    %get3A_389 = vector.load %arg5[%get3A_387, %get3A_388] : memref<8x8192xf32, #tpu.memory_space<vmem>>, vector<8x8192xf32>
    %select_n3A_390 = arith.select %gt3A_386, %mul3A_382, %get3A_389 : vector<8x8192xi1>, vector<8x8192xf32>
    %swap3A_391 = arith.constant 0 : index
    %swap3A_392 = arith.constant 0 : index
    %swap3A_393 = vector.load %arg5[%swap3A_391, %swap3A_392] : memref<8x8192xf32, #tpu.memory_space<vmem>>, vector<8x8192xf32>
    tpu.vector_store %arg5[%swap3A_391, %swap3A_392], %select_n3A_390 {strides = array<i32>} : memref<8x8192xf32, #tpu.memory_space<vmem>>, vector<8x8192xf32>,
    %add3A_394 = arith.constant 1.300000e+01 : f32
    %add3A_395 = arith.addf %convert_element_type3A_3, %add3A_394 : f32
    %get3A_396 = arith.constant 0 : index
    %get3A_397 = arith.constant 0 : index
    %get3A_398 = vector.load %arg6[%get3A_396, %get3A_397] : memref<8x8192xf32, #tpu.memory_space<vmem>>, vector<8x8192xf32>
    %broadcast_in_dim3A_399 = vector.broadcast %add3A_395 : f32 to vector<8x8192xf32>
    %select_n3A_400 = arith.select %gt3A_386, %broadcast_in_dim3A_399, %get3A_398 : vector<8x8192xi1>, vector<8x8192xf32>
    %swap3A_401 = arith.constant 0 : index
    %swap3A_402 = arith.constant 0 : index
    %swap3A_403 = vector.load %arg6[%swap3A_401, %swap3A_402] : memref<8x8192xf32, #tpu.memory_space<vmem>>, vector<8x8192xf32>
    tpu.vector_store %arg6[%swap3A_401, %swap3A_402], %select_n3A_400 {strides = array<i32>} : memref<8x8192xf32, #tpu.memory_space<vmem>>, vector<8x8192xf32>,
    %get3A_404 = arith.constant 112 : index
    %get3A_405 = arith.constant 0 : index
    %get3A_406 = vector.load %arg2[%get3A_404, %get3A_405] : memref<256x8192xf32, #tpu.memory_space<vmem>>, vector<8x8192xf32>
    %get3A_407 = arith.constant 112 : index
    %get3A_408 = arith.constant 0 : index
    %get3A_409 = vector.load %arg1[%get3A_407, %get3A_408] : memref<256x1xf32, #tpu.memory_space<vmem>>, vector<8x1xf32>
    %mul3A_410 = vector.broadcast %get3A_409 : vector<8x1xf32> to vector<8x8192xf32>
    %mul3A_411 = arith.mulf %get3A_406, %mul3A_410 : vector<8x8192xf32>
    %get3A_412 = arith.constant 0 : index
    %get3A_413 = arith.constant 0 : index
    %get3A_414 = vector.load %arg5[%get3A_412, %get3A_413] : memref<8x8192xf32, #tpu.memory_space<vmem>>, vector<8x8192xf32>
    %gt3A_415 = arith.cmpf ogt, %mul3A_411, %get3A_414 : vector<8x8192xf32>
    %get3A_416 = arith.constant 0 : index
    %get3A_417 = arith.constant 0 : index
    %get3A_418 = vector.load %arg5[%get3A_416, %get3A_417] : memref<8x8192xf32, #tpu.memory_space<vmem>>, vector<8x8192xf32>
    %select_n3A_419 = arith.select %gt3A_415, %mul3A_411, %get3A_418 : vector<8x8192xi1>, vector<8x8192xf32>
    %swap3A_420 = arith.constant 0 : index
    %swap3A_421 = arith.constant 0 : index
    %swap3A_422 = vector.load %arg5[%swap3A_420, %swap3A_421] : memref<8x8192xf32, #tpu.memory_space<vmem>>, vector<8x8192xf32>
    tpu.vector_store %arg5[%swap3A_420, %swap3A_421], %select_n3A_419 {strides = array<i32>} : memref<8x8192xf32, #tpu.memory_space<vmem>>, vector<8x8192xf32>,
    %add3A_423 = arith.constant 1.400000e+01 : f32
    %add3A_424 = arith.addf %convert_element_type3A_3, %add3A_423 : f32
    %get3A_425 = arith.constant 0 : index
    %get3A_426 = arith.constant 0 : index
    %get3A_427 = vector.load %arg6[%get3A_425, %get3A_426] : memref<8x8192xf32, #tpu.memory_space<vmem>>, vector<8x8192xf32>
    %broadcast_in_dim3A_428 = vector.broadcast %add3A_424 : f32 to vector<8x8192xf32>
    %select_n3A_429 = arith.select %gt3A_415, %broadcast_in_dim3A_428, %get3A_427 : vector<8x8192xi1>, vector<8x8192xf32>
    %swap3A_430 = arith.constant 0 : index
    %swap3A_431 = arith.constant 0 : index
    %swap3A_432 = vector.load %arg6[%swap3A_430, %swap3A_431] : memref<8x8192xf32, #tpu.memory_space<vmem>>, vector<8x8192xf32>
    tpu.vector_store %arg6[%swap3A_430, %swap3A_431], %select_n3A_429 {strides = array<i32>} : memref<8x8192xf32, #tpu.memory_space<vmem>>, vector<8x8192xf32>,
    %get3A_433 = arith.constant 120 : index
    %get3A_434 = arith.constant 0 : index
    %get3A_435 = vector.load %arg2[%get3A_433, %get3A_434] : memref<256x8192xf32, #tpu.memory_space<vmem>>, vector<8x8192xf32>
    %get3A_436 = arith.constant 120 : index
    %get3A_437 = arith.constant 0 : index
    %get3A_438 = vector.load %arg1[%get3A_436, %get3A_437] : memref<256x1xf32, #tpu.memory_space<vmem>>, vector<8x1xf32>
    %mul3A_439 = vector.broadcast %get3A_438 : vector<8x1xf32> to vector<8x8192xf32>
    %mul3A_440 = arith.mulf %get3A_435, %mul3A_439 : vector<8x8192xf32>
    %get3A_441 = arith.constant 0 : index
    %get3A_442 = arith.constant 0 : index
    %get3A_443 = vector.load %arg5[%get3A_441, %get3A_442] : memref<8x8192xf32, #tpu.memory_space<vmem>>, vector<8x8192xf32>
    %gt3A_444 = arith.cmpf ogt, %mul3A_440, %get3A_443 : vector<8x8192xf32>
    %get3A_445 = arith.constant 0 : index
    %get3A_446 = arith.constant 0 : index
    %get3A_447 = vector.load %arg5[%get3A_445, %get3A_446] : memref<8x8192xf32, #tpu.memory_space<vmem>>, vector<8x8192xf32>
    %select_n3A_448 = arith.select %gt3A_444, %mul3A_440, %get3A_447 : vector<8x8192xi1>, vector<8x8192xf32>
    %swap3A_449 = arith.constant 0 : index
    %swap3A_450 = arith.constant 0 : index
    %swap3A_451 = vector.load %arg5[%swap3A_449, %swap3A_450] : memref<8x8192xf32, #tpu.memory_space<vmem>>, vector<8x8192xf32>
    tpu.vector_store %arg5[%swap3A_449, %swap3A_450], %select_n3A_448 {strides = array<i32>} : memref<8x8192xf32, #tpu.memory_space<vmem>>, vector<8x8192xf32>,
    %add3A_452 = arith.constant 1.500000e+01 : f32
    %add3A_453 = arith.addf %convert_element_type3A_3, %add3A_452 : f32
    %get3A_454 = arith.constant 0 : index
    %get3A_455 = arith.constant 0 : index
    %get3A_456 = vector.load %arg6[%get3A_454, %get3A_455] : memref<8x8192xf32, #tpu.memory_space<vmem>>, vector<8x8192xf32>
    %broadcast_in_dim3A_457 = vector.broadcast %add3A_453 : f32 to vector<8x8192xf32>
    %select_n3A_458 = arith.select %gt3A_444, %broadcast_in_dim3A_457, %get3A_456 : vector<8x8192xi1>, vector<8x8192xf32>
    %swap3A_459 = arith.constant 0 : index
    %swap3A_460 = arith.constant 0 : index
    %swap3A_461 = vector.load %arg6[%swap3A_459, %swap3A_460] : memref<8x8192xf32, #tpu.memory_space<vmem>>, vector<8x8192xf32>
    tpu.vector_store %arg6[%swap3A_459, %swap3A_460], %select_n3A_458 {strides = array<i32>} : memref<8x8192xf32, #tpu.memory_space<vmem>>, vector<8x8192xf32>,
    %get3A_462 = arith.constant 128 : index
    %get3A_463 = arith.constant 0 : index
    %get3A_464 = vector.load %arg2[%get3A_462, %get3A_463] : memref<256x8192xf32, #tpu.memory_space<vmem>>, vector<8x8192xf32>
    %get3A_465 = arith.constant 128 : index
    %get3A_466 = arith.constant 0 : index
    %get3A_467 = vector.load %arg1[%get3A_465, %get3A_466] : memref<256x1xf32, #tpu.memory_space<vmem>>, vector<8x1xf32>
    %mul3A_468 = vector.broadcast %get3A_467 : vector<8x1xf32> to vector<8x8192xf32>
    %mul3A_469 = arith.mulf %get3A_464, %mul3A_468 : vector<8x8192xf32>
    %get3A_470 = arith.constant 0 : index
    %get3A_471 = arith.constant 0 : index
    %get3A_472 = vector.load %arg5[%get3A_470, %get3A_471] : memref<8x8192xf32, #tpu.memory_space<vmem>>, vector<8x8192xf32>
    %gt3A_473 = arith.cmpf ogt, %mul3A_469, %get3A_472 : vector<8x8192xf32>
    %get3A_474 = arith.constant 0 : index
    %get3A_475 = arith.constant 0 : index
    %get3A_476 = vector.load %arg5[%get3A_474, %get3A_475] : memref<8x8192xf32, #tpu.memory_space<vmem>>, vector<8x8192xf32>
    %select_n3A_477 = arith.select %gt3A_473, %mul3A_469, %get3A_476 : vector<8x8192xi1>, vector<8x8192xf32>
    %swap3A_478 = arith.constant 0 : index
    %swap3A_479 = arith.constant 0 : index
    %swap3A_480 = vector.load %arg5[%swap3A_478, %swap3A_479] : memref<8x8192xf32, #tpu.memory_space<vmem>>, vector<8x8192xf32>
    tpu.vector_store %arg5[%swap3A_478, %swap3A_479], %select_n3A_477 {strides = array<i32>} : memref<8x8192xf32, #tpu.memory_space<vmem>>, vector<8x8192xf32>,
    %add3A_481 = arith.constant 1.600000e+01 : f32
    %add3A_482 = arith.addf %convert_element_type3A_3, %add3A_481 : f32
    %get3A_483 = arith.constant 0 : index
    %get3A_484 = arith.constant 0 : index
    %get3A_485 = vector.load %arg6[%get3A_483, %get3A_484] : memref<8x8192xf32, #tpu.memory_space<vmem>>, vector<8x8192xf32>
    %broadcast_in_dim3A_486 = vector.broadcast %add3A_482 : f32 to vector<8x8192xf32>
    %select_n3A_487 = arith.select %gt3A_473, %broadcast_in_dim3A_486, %get3A_485 : vector<8x8192xi1>, vector<8x8192xf32>
    %swap3A_488 = arith.constant 0 : index
    %swap3A_489 = arith.constant 0 : index
    %swap3A_490 = vector.load %arg6[%swap3A_488, %swap3A_489] : memref<8x8192xf32, #tpu.memory_space<vmem>>, vector<8x8192xf32>
    tpu.vector_store %arg6[%swap3A_488, %swap3A_489], %select_n3A_487 {strides = array<i32>} : memref<8x8192xf32, #tpu.memory_space<vmem>>, vector<8x8192xf32>,
    %get3A_491 = arith.constant 136 : index
    %get3A_492 = arith.constant 0 : index
    %get3A_493 = vector.load %arg2[%get3A_491, %get3A_492] : memref<256x8192xf32, #tpu.memory_space<vmem>>, vector<8x8192xf32>
    %get3A_494 = arith.constant 136 : index
    %get3A_495 = arith.constant 0 : index
    %get3A_496 = vector.load %arg1[%get3A_494, %get3A_495] : memref<256x1xf32, #tpu.memory_space<vmem>>, vector<8x1xf32>
    %mul3A_497 = vector.broadcast %get3A_496 : vector<8x1xf32> to vector<8x8192xf32>
    %mul3A_498 = arith.mulf %get3A_493, %mul3A_497 : vector<8x8192xf32>
    %get3A_499 = arith.constant 0 : index
    %get3A_500 = arith.constant 0 : index
    %get3A_501 = vector.load %arg5[%get3A_499, %get3A_500] : memref<8x8192xf32, #tpu.memory_space<vmem>>, vector<8x8192xf32>
    %gt3A_502 = arith.cmpf ogt, %mul3A_498, %get3A_501 : vector<8x8192xf32>
    %get3A_503 = arith.constant 0 : index
    %get3A_504 = arith.constant 0 : index
    %get3A_505 = vector.load %arg5[%get3A_503, %get3A_504] : memref<8x8192xf32, #tpu.memory_space<vmem>>, vector<8x8192xf32>
    %select_n3A_506 = arith.select %gt3A_502, %mul3A_498, %get3A_505 : vector<8x8192xi1>, vector<8x8192xf32>
    %swap3A_507 = arith.constant 0 : index
    %swap3A_508 = arith.constant 0 : index
    %swap3A_509 = vector.load %arg5[%swap3A_507, %swap3A_508] : memref<8x8192xf32, #tpu.memory_space<vmem>>, vector<8x8192xf32>
    tpu.vector_store %arg5[%swap3A_507, %swap3A_508], %select_n3A_506 {strides = array<i32>} : memref<8x8192xf32, #tpu.memory_space<vmem>>, vector<8x8192xf32>,
    %add3A_510 = arith.constant 1.700000e+01 : f32
    %add3A_511 = arith.addf %convert_element_type3A_3, %add3A_510 : f32
    %get3A_512 = arith.constant 0 : index
    %get3A_513 = arith.constant 0 : index
    %get3A_514 = vector.load %arg6[%get3A_512, %get3A_513] : memref<8x8192xf32, #tpu.memory_space<vmem>>, vector<8x8192xf32>
    %broadcast_in_dim3A_515 = vector.broadcast %add3A_511 : f32 to vector<8x8192xf32>
    %select_n3A_516 = arith.select %gt3A_502, %broadcast_in_dim3A_515, %get3A_514 : vector<8x8192xi1>, vector<8x8192xf32>
    %swap3A_517 = arith.constant 0 : index
    %swap3A_518 = arith.constant 0 : index
    %swap3A_519 = vector.load %arg6[%swap3A_517, %swap3A_518] : memref<8x8192xf32, #tpu.memory_space<vmem>>, vector<8x8192xf32>
    tpu.vector_store %arg6[%swap3A_517, %swap3A_518], %select_n3A_516 {strides = array<i32>} : memref<8x8192xf32, #tpu.memory_space<vmem>>, vector<8x8192xf32>,
    %get3A_520 = arith.constant 144 : index
    %get3A_521 = arith.constant 0 : index
    %get3A_522 = vector.load %arg2[%get3A_520, %get3A_521] : memref<256x8192xf32, #tpu.memory_space<vmem>>, vector<8x8192xf32>
    %get3A_523 = arith.constant 144 : index
    %get3A_524 = arith.constant 0 : index
    %get3A_525 = vector.load %arg1[%get3A_523, %get3A_524] : memref<256x1xf32, #tpu.memory_space<vmem>>, vector<8x1xf32>
    %mul3A_526 = vector.broadcast %get3A_525 : vector<8x1xf32> to vector<8x8192xf32>
    %mul3A_527 = arith.mulf %get3A_522, %mul3A_526 : vector<8x8192xf32>
    %get3A_528 = arith.constant 0 : index
    %get3A_529 = arith.constant 0 : index
    %get3A_530 = vector.load %arg5[%get3A_528, %get3A_529] : memref<8x8192xf32, #tpu.memory_space<vmem>>, vector<8x8192xf32>
    %gt3A_531 = arith.cmpf ogt, %mul3A_527, %get3A_530 : vector<8x8192xf32>
    %get3A_532 = arith.constant 0 : index
    %get3A_533 = arith.constant 0 : index
    %get3A_534 = vector.load %arg5[%get3A_532, %get3A_533] : memref<8x8192xf32, #tpu.memory_space<vmem>>, vector<8x8192xf32>
    %select_n3A_535 = arith.select %gt3A_531, %mul3A_527, %get3A_534 : vector<8x8192xi1>, vector<8x8192xf32>
    %swap3A_536 = arith.constant 0 : index
    %swap3A_537 = arith.constant 0 : index
    %swap3A_538 = vector.load %arg5[%swap3A_536, %swap3A_537] : memref<8x8192xf32, #tpu.memory_space<vmem>>, vector<8x8192xf32>
    tpu.vector_store %arg5[%swap3A_536, %swap3A_537], %select_n3A_535 {strides = array<i32>} : memref<8x8192xf32, #tpu.memory_space<vmem>>, vector<8x8192xf32>,
    %add3A_539 = arith.constant 1.800000e+01 : f32
    %add3A_540 = arith.addf %convert_element_type3A_3, %add3A_539 : f32
    %get3A_541 = arith.constant 0 : index
    %get3A_542 = arith.constant 0 : index
    %get3A_543 = vector.load %arg6[%get3A_541, %get3A_542] : memref<8x8192xf32, #tpu.memory_space<vmem>>, vector<8x8192xf32>
    %broadcast_in_dim3A_544 = vector.broadcast %add3A_540 : f32 to vector<8x8192xf32>
    %select_n3A_545 = arith.select %gt3A_531, %broadcast_in_dim3A_544, %get3A_543 : vector<8x8192xi1>, vector<8x8192xf32>
    %swap3A_546 = arith.constant 0 : index
    %swap3A_547 = arith.constant 0 : index
    %swap3A_548 = vector.load %arg6[%swap3A_546, %swap3A_547] : memref<8x8192xf32, #tpu.memory_space<vmem>>, vector<8x8192xf32>
    tpu.vector_store %arg6[%swap3A_546, %swap3A_547], %select_n3A_545 {strides = array<i32>} : memref<8x8192xf32, #tpu.memory_space<vmem>>, vector<8x8192xf32>,
    %get3A_549 = arith.constant 152 : index
    %get3A_550 = arith.constant 0 : index
    %get3A_551 = vector.load %arg2[%get3A_549, %get3A_550] : memref<256x8192xf32, #tpu.memory_space<vmem>>, vector<8x8192xf32>
    %get3A_552 = arith.constant 152 : index
    %get3A_553 = arith.constant 0 : index
    %get3A_554 = vector.load %arg1[%get3A_552, %get3A_553] : memref<256x1xf32, #tpu.memory_space<vmem>>, vector<8x1xf32>
    %mul3A_555 = vector.broadcast %get3A_554 : vector<8x1xf32> to vector<8x8192xf32>
    %mul3A_556 = arith.mulf %get3A_551, %mul3A_555 : vector<8x8192xf32>
    %get3A_557 = arith.constant 0 : index
    %get3A_558 = arith.constant 0 : index
    %get3A_559 = vector.load %arg5[%get3A_557, %get3A_558] : memref<8x8192xf32, #tpu.memory_space<vmem>>, vector<8x8192xf32>
    %gt3A_560 = arith.cmpf ogt, %mul3A_556, %get3A_559 : vector<8x8192xf32>
    %get3A_561 = arith.constant 0 : index
    %get3A_562 = arith.constant 0 : index
    %get3A_563 = vector.load %arg5[%get3A_561, %get3A_562] : memref<8x8192xf32, #tpu.memory_space<vmem>>, vector<8x8192xf32>
    %select_n3A_564 = arith.select %gt3A_560, %mul3A_556, %get3A_563 : vector<8x8192xi1>, vector<8x8192xf32>
    %swap3A_565 = arith.constant 0 : index
    %swap3A_566 = arith.constant 0 : index
    %swap3A_567 = vector.load %arg5[%swap3A_565, %swap3A_566] : memref<8x8192xf32, #tpu.memory_space<vmem>>, vector<8x8192xf32>
    tpu.vector_store %arg5[%swap3A_565, %swap3A_566], %select_n3A_564 {strides = array<i32>} : memref<8x8192xf32, #tpu.memory_space<vmem>>, vector<8x8192xf32>,
    %add3A_568 = arith.constant 1.900000e+01 : f32
    %add3A_569 = arith.addf %convert_element_type3A_3, %add3A_568 : f32
    %get3A_570 = arith.constant 0 : index
    %get3A_571 = arith.constant 0 : index
    %get3A_572 = vector.load %arg6[%get3A_570, %get3A_571] : memref<8x8192xf32, #tpu.memory_space<vmem>>, vector<8x8192xf32>
    %broadcast_in_dim3A_573 = vector.broadcast %add3A_569 : f32 to vector<8x8192xf32>
    %select_n3A_574 = arith.select %gt3A_560, %broadcast_in_dim3A_573, %get3A_572 : vector<8x8192xi1>, vector<8x8192xf32>
    %swap3A_575 = arith.constant 0 : index
    %swap3A_576 = arith.constant 0 : index
    %swap3A_577 = vector.load %arg6[%swap3A_575, %swap3A_576] : memref<8x8192xf32, #tpu.memory_space<vmem>>, vector<8x8192xf32>
    tpu.vector_store %arg6[%swap3A_575, %swap3A_576], %select_n3A_574 {strides = array<i32>} : memref<8x8192xf32, #tpu.memory_space<vmem>>, vector<8x8192xf32>,
    %get3A_578 = arith.constant 160 : index
    %get3A_579 = arith.constant 0 : index
    %get3A_580 = vector.load %arg2[%get3A_578, %get3A_579] : memref<256x8192xf32, #tpu.memory_space<vmem>>, vector<8x8192xf32>
    %get3A_581 = arith.constant 160 : index
    %get3A_582 = arith.constant 0 : index
    %get3A_583 = vector.load %arg1[%get3A_581, %get3A_582] : memref<256x1xf32, #tpu.memory_space<vmem>>, vector<8x1xf32>
    %mul3A_584 = vector.broadcast %get3A_583 : vector<8x1xf32> to vector<8x8192xf32>
    %mul3A_585 = arith.mulf %get3A_580, %mul3A_584 : vector<8x8192xf32>
    %get3A_586 = arith.constant 0 : index
    %get3A_587 = arith.constant 0 : index
    %get3A_588 = vector.load %arg5[%get3A_586, %get3A_587] : memref<8x8192xf32, #tpu.memory_space<vmem>>, vector<8x8192xf32>
    %gt3A_589 = arith.cmpf ogt, %mul3A_585, %get3A_588 : vector<8x8192xf32>
    %get3A_590 = arith.constant 0 : index
    %get3A_591 = arith.constant 0 : index
    %get3A_592 = vector.load %arg5[%get3A_590, %get3A_591] : memref<8x8192xf32, #tpu.memory_space<vmem>>, vector<8x8192xf32>
    %select_n3A_593 = arith.select %gt3A_589, %mul3A_585, %get3A_592 : vector<8x8192xi1>, vector<8x8192xf32>
    %swap3A_594 = arith.constant 0 : index
    %swap3A_595 = arith.constant 0 : index
    %swap3A_596 = vector.load %arg5[%swap3A_594, %swap3A_595] : memref<8x8192xf32, #tpu.memory_space<vmem>>, vector<8x8192xf32>
    tpu.vector_store %arg5[%swap3A_594, %swap3A_595], %select_n3A_593 {strides = array<i32>} : memref<8x8192xf32, #tpu.memory_space<vmem>>, vector<8x8192xf32>,
    %add3A_597 = arith.constant 2.000000e+01 : f32
    %add3A_598 = arith.addf %convert_element_type3A_3, %add3A_597 : f32
    %get3A_599 = arith.constant 0 : index
    %get3A_600 = arith.constant 0 : index
    %get3A_601 = vector.load %arg6[%get3A_599, %get3A_600] : memref<8x8192xf32, #tpu.memory_space<vmem>>, vector<8x8192xf32>
    %broadcast_in_dim3A_602 = vector.broadcast %add3A_598 : f32 to vector<8x8192xf32>
    %select_n3A_603 = arith.select %gt3A_589, %broadcast_in_dim3A_602, %get3A_601 : vector<8x8192xi1>, vector<8x8192xf32>
    %swap3A_604 = arith.constant 0 : index
    %swap3A_605 = arith.constant 0 : index
    %swap3A_606 = vector.load %arg6[%swap3A_604, %swap3A_605] : memref<8x8192xf32, #tpu.memory_space<vmem>>, vector<8x8192xf32>
    tpu.vector_store %arg6[%swap3A_604, %swap3A_605], %select_n3A_603 {strides = array<i32>} : memref<8x8192xf32, #tpu.memory_space<vmem>>, vector<8x8192xf32>,
    %get3A_607 = arith.constant 168 : index
    %get3A_608 = arith.constant 0 : index
    %get3A_609 = vector.load %arg2[%get3A_607, %get3A_608] : memref<256x8192xf32, #tpu.memory_space<vmem>>, vector<8x8192xf32>
    %get3A_610 = arith.constant 168 : index
    %get3A_611 = arith.constant 0 : index
    %get3A_612 = vector.load %arg1[%get3A_610, %get3A_611] : memref<256x1xf32, #tpu.memory_space<vmem>>, vector<8x1xf32>
    %mul3A_613 = vector.broadcast %get3A_612 : vector<8x1xf32> to vector<8x8192xf32>
    %mul3A_614 = arith.mulf %get3A_609, %mul3A_613 : vector<8x8192xf32>
    %get3A_615 = arith.constant 0 : index
    %get3A_616 = arith.constant 0 : index
    %get3A_617 = vector.load %arg5[%get3A_615, %get3A_616] : memref<8x8192xf32, #tpu.memory_space<vmem>>, vector<8x8192xf32>
    %gt3A_618 = arith.cmpf ogt, %mul3A_614, %get3A_617 : vector<8x8192xf32>
    %get3A_619 = arith.constant 0 : index
    %get3A_620 = arith.constant 0 : index
    %get3A_621 = vector.load %arg5[%get3A_619, %get3A_620] : memref<8x8192xf32, #tpu.memory_space<vmem>>, vector<8x8192xf32>
    %select_n3A_622 = arith.select %gt3A_618, %mul3A_614, %get3A_621 : vector<8x8192xi1>, vector<8x8192xf32>
    %swap3A_623 = arith.constant 0 : index
    %swap3A_624 = arith.constant 0 : index
    %swap3A_625 = vector.load %arg5[%swap3A_623, %swap3A_624] : memref<8x8192xf32, #tpu.memory_space<vmem>>, vector<8x8192xf32>
    tpu.vector_store %arg5[%swap3A_623, %swap3A_624], %select_n3A_622 {strides = array<i32>} : memref<8x8192xf32, #tpu.memory_space<vmem>>, vector<8x8192xf32>,
    %add3A_626 = arith.constant 2.100000e+01 : f32
    %add3A_627 = arith.addf %convert_element_type3A_3, %add3A_626 : f32
    %get3A_628 = arith.constant 0 : index
    %get3A_629 = arith.constant 0 : index
    %get3A_630 = vector.load %arg6[%get3A_628, %get3A_629] : memref<8x8192xf32, #tpu.memory_space<vmem>>, vector<8x8192xf32>
    %broadcast_in_dim3A_631 = vector.broadcast %add3A_627 : f32 to vector<8x8192xf32>
    %select_n3A_632 = arith.select %gt3A_618, %broadcast_in_dim3A_631, %get3A_630 : vector<8x8192xi1>, vector<8x8192xf32>
    %swap3A_633 = arith.constant 0 : index
    %swap3A_634 = arith.constant 0 : index
    %swap3A_635 = vector.load %arg6[%swap3A_633, %swap3A_634] : memref<8x8192xf32, #tpu.memory_space<vmem>>, vector<8x8192xf32>
    tpu.vector_store %arg6[%swap3A_633, %swap3A_634], %select_n3A_632 {strides = array<i32>} : memref<8x8192xf32, #tpu.memory_space<vmem>>, vector<8x8192xf32>,
    %get3A_636 = arith.constant 176 : index
    %get3A_637 = arith.constant 0 : index
    %get3A_638 = vector.load %arg2[%get3A_636, %get3A_637] : memref<256x8192xf32, #tpu.memory_space<vmem>>, vector<8x8192xf32>
    %get3A_639 = arith.constant 176 : index
    %get3A_640 = arith.constant 0 : index
    %get3A_641 = vector.load %arg1[%get3A_639, %get3A_640] : memref<256x1xf32, #tpu.memory_space<vmem>>, vector<8x1xf32>
    %mul3A_642 = vector.broadcast %get3A_641 : vector<8x1xf32> to vector<8x8192xf32>
    %mul3A_643 = arith.mulf %get3A_638, %mul3A_642 : vector<8x8192xf32>
    %get3A_644 = arith.constant 0 : index
    %get3A_645 = arith.constant 0 : index
    %get3A_646 = vector.load %arg5[%get3A_644, %get3A_645] : memref<8x8192xf32, #tpu.memory_space<vmem>>, vector<8x8192xf32>
    %gt3A_647 = arith.cmpf ogt, %mul3A_643, %get3A_646 : vector<8x8192xf32>
    %get3A_648 = arith.constant 0 : index
    %get3A_649 = arith.constant 0 : index
    %get3A_650 = vector.load %arg5[%get3A_648, %get3A_649] : memref<8x8192xf32, #tpu.memory_space<vmem>>, vector<8x8192xf32>
    %select_n3A_651 = arith.select %gt3A_647, %mul3A_643, %get3A_650 : vector<8x8192xi1>, vector<8x8192xf32>
    %swap3A_652 = arith.constant 0 : index
    %swap3A_653 = arith.constant 0 : index
    %swap3A_654 = vector.load %arg5[%swap3A_652, %swap3A_653] : memref<8x8192xf32, #tpu.memory_space<vmem>>, vector<8x8192xf32>
    tpu.vector_store %arg5[%swap3A_652, %swap3A_653], %select_n3A_651 {strides = array<i32>} : memref<8x8192xf32, #tpu.memory_space<vmem>>, vector<8x8192xf32>,
    %add3A_655 = arith.constant 2.200000e+01 : f32
    %add3A_656 = arith.addf %convert_element_type3A_3, %add3A_655 : f32
    %get3A_657 = arith.constant 0 : index
    %get3A_658 = arith.constant 0 : index
    %get3A_659 = vector.load %arg6[%get3A_657, %get3A_658] : memref<8x8192xf32, #tpu.memory_space<vmem>>, vector<8x8192xf32>
    %broadcast_in_dim3A_660 = vector.broadcast %add3A_656 : f32 to vector<8x8192xf32>
    %select_n3A_661 = arith.select %gt3A_647, %broadcast_in_dim3A_660, %get3A_659 : vector<8x8192xi1>, vector<8x8192xf32>
    %swap3A_662 = arith.constant 0 : index
    %swap3A_663 = arith.constant 0 : index
    %swap3A_664 = vector.load %arg6[%swap3A_662, %swap3A_663] : memref<8x8192xf32, #tpu.memory_space<vmem>>, vector<8x8192xf32>
    tpu.vector_store %arg6[%swap3A_662, %swap3A_663], %select_n3A_661 {strides = array<i32>} : memref<8x8192xf32, #tpu.memory_space<vmem>>, vector<8x8192xf32>,
    %get3A_665 = arith.constant 184 : index
    %get3A_666 = arith.constant 0 : index
    %get3A_667 = vector.load %arg2[%get3A_665, %get3A_666] : memref<256x8192xf32, #tpu.memory_space<vmem>>, vector<8x8192xf32>
    %get3A_668 = arith.constant 184 : index
    %get3A_669 = arith.constant 0 : index
    %get3A_670 = vector.load %arg1[%get3A_668, %get3A_669] : memref<256x1xf32, #tpu.memory_space<vmem>>, vector<8x1xf32>
    %mul3A_671 = vector.broadcast %get3A_670 : vector<8x1xf32> to vector<8x8192xf32>
    %mul3A_672 = arith.mulf %get3A_667, %mul3A_671 : vector<8x8192xf32>
    %get3A_673 = arith.constant 0 : index
    %get3A_674 = arith.constant 0 : index
    %get3A_675 = vector.load %arg5[%get3A_673, %get3A_674] : memref<8x8192xf32, #tpu.memory_space<vmem>>, vector<8x8192xf32>
    %gt3A_676 = arith.cmpf ogt, %mul3A_672, %get3A_675 : vector<8x8192xf32>
    %get3A_677 = arith.constant 0 : index
    %get3A_678 = arith.constant 0 : index
    %get3A_679 = vector.load %arg5[%get3A_677, %get3A_678] : memref<8x8192xf32, #tpu.memory_space<vmem>>, vector<8x8192xf32>
    %select_n3A_680 = arith.select %gt3A_676, %mul3A_672, %get3A_679 : vector<8x8192xi1>, vector<8x8192xf32>
    %swap3A_681 = arith.constant 0 : index
    %swap3A_682 = arith.constant 0 : index
    %swap3A_683 = vector.load %arg5[%swap3A_681, %swap3A_682] : memref<8x8192xf32, #tpu.memory_space<vmem>>, vector<8x8192xf32>
    tpu.vector_store %arg5[%swap3A_681, %swap3A_682], %select_n3A_680 {strides = array<i32>} : memref<8x8192xf32, #tpu.memory_space<vmem>>, vector<8x8192xf32>,
    %add3A_684 = arith.constant 2.300000e+01 : f32
    %add3A_685 = arith.addf %convert_element_type3A_3, %add3A_684 : f32
    %get3A_686 = arith.constant 0 : index
    %get3A_687 = arith.constant 0 : index
    %get3A_688 = vector.load %arg6[%get3A_686, %get3A_687] : memref<8x8192xf32, #tpu.memory_space<vmem>>, vector<8x8192xf32>
    %broadcast_in_dim3A_689 = vector.broadcast %add3A_685 : f32 to vector<8x8192xf32>
    %select_n3A_690 = arith.select %gt3A_676, %broadcast_in_dim3A_689, %get3A_688 : vector<8x8192xi1>, vector<8x8192xf32>
    %swap3A_691 = arith.constant 0 : index
    %swap3A_692 = arith.constant 0 : index
    %swap3A_693 = vector.load %arg6[%swap3A_691, %swap3A_692] : memref<8x8192xf32, #tpu.memory_space<vmem>>, vector<8x8192xf32>
    tpu.vector_store %arg6[%swap3A_691, %swap3A_692], %select_n3A_690 {strides = array<i32>} : memref<8x8192xf32, #tpu.memory_space<vmem>>, vector<8x8192xf32>,
    %get3A_694 = arith.constant 192 : index
    %get3A_695 = arith.constant 0 : index
    %get3A_696 = vector.load %arg2[%get3A_694, %get3A_695] : memref<256x8192xf32, #tpu.memory_space<vmem>>, vector<8x8192xf32>
    %get3A_697 = arith.constant 192 : index
    %get3A_698 = arith.constant 0 : index
    %get3A_699 = vector.load %arg1[%get3A_697, %get3A_698] : memref<256x1xf32, #tpu.memory_space<vmem>>, vector<8x1xf32>
    %mul3A_700 = vector.broadcast %get3A_699 : vector<8x1xf32> to vector<8x8192xf32>
    %mul3A_701 = arith.mulf %get3A_696, %mul3A_700 : vector<8x8192xf32>
    %get3A_702 = arith.constant 0 : index
    %get3A_703 = arith.constant 0 : index
    %get3A_704 = vector.load %arg5[%get3A_702, %get3A_703] : memref<8x8192xf32, #tpu.memory_space<vmem>>, vector<8x8192xf32>
    %gt3A_705 = arith.cmpf ogt, %mul3A_701, %get3A_704 : vector<8x8192xf32>
    %get3A_706 = arith.constant 0 : index
    %get3A_707 = arith.constant 0 : index
    %get3A_708 = vector.load %arg5[%get3A_706, %get3A_707] : memref<8x8192xf32, #tpu.memory_space<vmem>>, vector<8x8192xf32>
    %select_n3A_709 = arith.select %gt3A_705, %mul3A_701, %get3A_708 : vector<8x8192xi1>, vector<8x8192xf32>
    %swap3A_710 = arith.constant 0 : index
    %swap3A_711 = arith.constant 0 : index
    %swap3A_712 = vector.load %arg5[%swap3A_710, %swap3A_711] : memref<8x8192xf32, #tpu.memory_space<vmem>>, vector<8x8192xf32>
    tpu.vector_store %arg5[%swap3A_710, %swap3A_711], %select_n3A_709 {strides = array<i32>} : memref<8x8192xf32, #tpu.memory_space<vmem>>, vector<8x8192xf32>,
    %add3A_713 = arith.constant 2.400000e+01 : f32
    %add3A_714 = arith.addf %convert_element_type3A_3, %add3A_713 : f32
    %get3A_715 = arith.constant 0 : index
    %get3A_716 = arith.constant 0 : index
    %get3A_717 = vector.load %arg6[%get3A_715, %get3A_716] : memref<8x8192xf32, #tpu.memory_space<vmem>>, vector<8x8192xf32>
    %broadcast_in_dim3A_718 = vector.broadcast %add3A_714 : f32 to vector<8x8192xf32>
    %select_n3A_719 = arith.select %gt3A_705, %broadcast_in_dim3A_718, %get3A_717 : vector<8x8192xi1>, vector<8x8192xf32>
    %swap3A_720 = arith.constant 0 : index
    %swap3A_721 = arith.constant 0 : index
    %swap3A_722 = vector.load %arg6[%swap3A_720, %swap3A_721] : memref<8x8192xf32, #tpu.memory_space<vmem>>, vector<8x8192xf32>
    tpu.vector_store %arg6[%swap3A_720, %swap3A_721], %select_n3A_719 {strides = array<i32>} : memref<8x8192xf32, #tpu.memory_space<vmem>>, vector<8x8192xf32>,
    %get3A_723 = arith.constant 200 : index
    %get3A_724 = arith.constant 0 : index
    %get3A_725 = vector.load %arg2[%get3A_723, %get3A_724] : memref<256x8192xf32, #tpu.memory_space<vmem>>, vector<8x8192xf32>
    %get3A_726 = arith.constant 200 : index
    %get3A_727 = arith.constant 0 : index
    %get3A_728 = vector.load %arg1[%get3A_726, %get3A_727] : memref<256x1xf32, #tpu.memory_space<vmem>>, vector<8x1xf32>
    %mul3A_729 = vector.broadcast %get3A_728 : vector<8x1xf32> to vector<8x8192xf32>
    %mul3A_730 = arith.mulf %get3A_725, %mul3A_729 : vector<8x8192xf32>
    %get3A_731 = arith.constant 0 : index
    %get3A_732 = arith.constant 0 : index
    %get3A_733 = vector.load %arg5[%get3A_731, %get3A_732] : memref<8x8192xf32, #tpu.memory_space<vmem>>, vector<8x8192xf32>
    %gt3A_734 = arith.cmpf ogt, %mul3A_730, %get3A_733 : vector<8x8192xf32>
    %get3A_735 = arith.constant 0 : index
    %get3A_736 = arith.constant 0 : index
    %get3A_737 = vector.load %arg5[%get3A_735, %get3A_736] : memref<8x8192xf32, #tpu.memory_space<vmem>>, vector<8x8192xf32>
    %select_n3A_738 = arith.select %gt3A_734, %mul3A_730, %get3A_737 : vector<8x8192xi1>, vector<8x8192xf32>
    %swap3A_739 = arith.constant 0 : index
    %swap3A_740 = arith.constant 0 : index
    %swap3A_741 = vector.load %arg5[%swap3A_739, %swap3A_740] : memref<8x8192xf32, #tpu.memory_space<vmem>>, vector<8x8192xf32>
    tpu.vector_store %arg5[%swap3A_739, %swap3A_740], %select_n3A_738 {strides = array<i32>} : memref<8x8192xf32, #tpu.memory_space<vmem>>, vector<8x8192xf32>,
    %add3A_742 = arith.constant 2.500000e+01 : f32
    %add3A_743 = arith.addf %convert_element_type3A_3, %add3A_742 : f32
    %get3A_744 = arith.constant 0 : index
    %get3A_745 = arith.constant 0 : index
    %get3A_746 = vector.load %arg6[%get3A_744, %get3A_745] : memref<8x8192xf32, #tpu.memory_space<vmem>>, vector<8x8192xf32>
    %broadcast_in_dim3A_747 = vector.broadcast %add3A_743 : f32 to vector<8x8192xf32>
    %select_n3A_748 = arith.select %gt3A_734, %broadcast_in_dim3A_747, %get3A_746 : vector<8x8192xi1>, vector<8x8192xf32>
    %swap3A_749 = arith.constant 0 : index
    %swap3A_750 = arith.constant 0 : index
    %swap3A_751 = vector.load %arg6[%swap3A_749, %swap3A_750] : memref<8x8192xf32, #tpu.memory_space<vmem>>, vector<8x8192xf32>
    tpu.vector_store %arg6[%swap3A_749, %swap3A_750], %select_n3A_748 {strides = array<i32>} : memref<8x8192xf32, #tpu.memory_space<vmem>>, vector<8x8192xf32>,
    %get3A_752 = arith.constant 208 : index
    %get3A_753 = arith.constant 0 : index
    %get3A_754 = vector.load %arg2[%get3A_752, %get3A_753] : memref<256x8192xf32, #tpu.memory_space<vmem>>, vector<8x8192xf32>
    %get3A_755 = arith.constant 208 : index
    %get3A_756 = arith.constant 0 : index
    %get3A_757 = vector.load %arg1[%get3A_755, %get3A_756] : memref<256x1xf32, #tpu.memory_space<vmem>>, vector<8x1xf32>
    %mul3A_758 = vector.broadcast %get3A_757 : vector<8x1xf32> to vector<8x8192xf32>
    %mul3A_759 = arith.mulf %get3A_754, %mul3A_758 : vector<8x8192xf32>
    %get3A_760 = arith.constant 0 : index
    %get3A_761 = arith.constant 0 : index
    %get3A_762 = vector.load %arg5[%get3A_760, %get3A_761] : memref<8x8192xf32, #tpu.memory_space<vmem>>, vector<8x8192xf32>
    %gt3A_763 = arith.cmpf ogt, %mul3A_759, %get3A_762 : vector<8x8192xf32>
    %get3A_764 = arith.constant 0 : index
    %get3A_765 = arith.constant 0 : index
    %get3A_766 = vector.load %arg5[%get3A_764, %get3A_765] : memref<8x8192xf32, #tpu.memory_space<vmem>>, vector<8x8192xf32>
    %select_n3A_767 = arith.select %gt3A_763, %mul3A_759, %get3A_766 : vector<8x8192xi1>, vector<8x8192xf32>
    %swap3A_768 = arith.constant 0 : index
    %swap3A_769 = arith.constant 0 : index
    %swap3A_770 = vector.load %arg5[%swap3A_768, %swap3A_769] : memref<8x8192xf32, #tpu.memory_space<vmem>>, vector<8x8192xf32>
    tpu.vector_store %arg5[%swap3A_768, %swap3A_769], %select_n3A_767 {strides = array<i32>} : memref<8x8192xf32, #tpu.memory_space<vmem>>, vector<8x8192xf32>,
    %add3A_771 = arith.constant 2.600000e+01 : f32
    %add3A_772 = arith.addf %convert_element_type3A_3, %add3A_771 : f32
    %get3A_773 = arith.constant 0 : index
    %get3A_774 = arith.constant 0 : index
    %get3A_775 = vector.load %arg6[%get3A_773, %get3A_774] : memref<8x8192xf32, #tpu.memory_space<vmem>>, vector<8x8192xf32>
    %broadcast_in_dim3A_776 = vector.broadcast %add3A_772 : f32 to vector<8x8192xf32>
    %select_n3A_777 = arith.select %gt3A_763, %broadcast_in_dim3A_776, %get3A_775 : vector<8x8192xi1>, vector<8x8192xf32>
    %swap3A_778 = arith.constant 0 : index
    %swap3A_779 = arith.constant 0 : index
    %swap3A_780 = vector.load %arg6[%swap3A_778, %swap3A_779] : memref<8x8192xf32, #tpu.memory_space<vmem>>, vector<8x8192xf32>
    tpu.vector_store %arg6[%swap3A_778, %swap3A_779], %select_n3A_777 {strides = array<i32>} : memref<8x8192xf32, #tpu.memory_space<vmem>>, vector<8x8192xf32>,
    %get3A_781 = arith.constant 216 : index
    %get3A_782 = arith.constant 0 : index
    %get3A_783 = vector.load %arg2[%get3A_781, %get3A_782] : memref<256x8192xf32, #tpu.memory_space<vmem>>, vector<8x8192xf32>
    %get3A_784 = arith.constant 216 : index
    %get3A_785 = arith.constant 0 : index
    %get3A_786 = vector.load %arg1[%get3A_784, %get3A_785] : memref<256x1xf32, #tpu.memory_space<vmem>>, vector<8x1xf32>
    %mul3A_787 = vector.broadcast %get3A_786 : vector<8x1xf32> to vector<8x8192xf32>
    %mul3A_788 = arith.mulf %get3A_783, %mul3A_787 : vector<8x8192xf32>
    %get3A_789 = arith.constant 0 : index
    %get3A_790 = arith.constant 0 : index
    %get3A_791 = vector.load %arg5[%get3A_789, %get3A_790] : memref<8x8192xf32, #tpu.memory_space<vmem>>, vector<8x8192xf32>
    %gt3A_792 = arith.cmpf ogt, %mul3A_788, %get3A_791 : vector<8x8192xf32>
    %get3A_793 = arith.constant 0 : index
    %get3A_794 = arith.constant 0 : index
    %get3A_795 = vector.load %arg5[%get3A_793, %get3A_794] : memref<8x8192xf32, #tpu.memory_space<vmem>>, vector<8x8192xf32>
    %select_n3A_796 = arith.select %gt3A_792, %mul3A_788, %get3A_795 : vector<8x8192xi1>, vector<8x8192xf32>
    %swap3A_797 = arith.constant 0 : index
    %swap3A_798 = arith.constant 0 : index
    %swap3A_799 = vector.load %arg5[%swap3A_797, %swap3A_798] : memref<8x8192xf32, #tpu.memory_space<vmem>>, vector<8x8192xf32>
    tpu.vector_store %arg5[%swap3A_797, %swap3A_798], %select_n3A_796 {strides = array<i32>} : memref<8x8192xf32, #tpu.memory_space<vmem>>, vector<8x8192xf32>,
    %add3A_800 = arith.constant 2.700000e+01 : f32
    %add3A_801 = arith.addf %convert_element_type3A_3, %add3A_800 : f32
    %get3A_802 = arith.constant 0 : index
    %get3A_803 = arith.constant 0 : index
    %get3A_804 = vector.load %arg6[%get3A_802, %get3A_803] : memref<8x8192xf32, #tpu.memory_space<vmem>>, vector<8x8192xf32>
    %broadcast_in_dim3A_805 = vector.broadcast %add3A_801 : f32 to vector<8x8192xf32>
    %select_n3A_806 = arith.select %gt3A_792, %broadcast_in_dim3A_805, %get3A_804 : vector<8x8192xi1>, vector<8x8192xf32>
    %swap3A_807 = arith.constant 0 : index
    %swap3A_808 = arith.constant 0 : index
    %swap3A_809 = vector.load %arg6[%swap3A_807, %swap3A_808] : memref<8x8192xf32, #tpu.memory_space<vmem>>, vector<8x8192xf32>
    tpu.vector_store %arg6[%swap3A_807, %swap3A_808], %select_n3A_806 {strides = array<i32>} : memref<8x8192xf32, #tpu.memory_space<vmem>>, vector<8x8192xf32>,
    %get3A_810 = arith.constant 224 : index
    %get3A_811 = arith.constant 0 : index
    %get3A_812 = vector.load %arg2[%get3A_810, %get3A_811] : memref<256x8192xf32, #tpu.memory_space<vmem>>, vector<8x8192xf32>
    %get3A_813 = arith.constant 224 : index
    %get3A_814 = arith.constant 0 : index
    %get3A_815 = vector.load %arg1[%get3A_813, %get3A_814] : memref<256x1xf32, #tpu.memory_space<vmem>>, vector<8x1xf32>
    %mul3A_816 = vector.broadcast %get3A_815 : vector<8x1xf32> to vector<8x8192xf32>
    %mul3A_817 = arith.mulf %get3A_812, %mul3A_816 : vector<8x8192xf32>
    %get3A_818 = arith.constant 0 : index
    %get3A_819 = arith.constant 0 : index
    %get3A_820 = vector.load %arg5[%get3A_818, %get3A_819] : memref<8x8192xf32, #tpu.memory_space<vmem>>, vector<8x8192xf32>
    %gt3A_821 = arith.cmpf ogt, %mul3A_817, %get3A_820 : vector<8x8192xf32>
    %get3A_822 = arith.constant 0 : index
    %get3A_823 = arith.constant 0 : index
    %get3A_824 = vector.load %arg5[%get3A_822, %get3A_823] : memref<8x8192xf32, #tpu.memory_space<vmem>>, vector<8x8192xf32>
    %select_n3A_825 = arith.select %gt3A_821, %mul3A_817, %get3A_824 : vector<8x8192xi1>, vector<8x8192xf32>
    %swap3A_826 = arith.constant 0 : index
    %swap3A_827 = arith.constant 0 : index
    %swap3A_828 = vector.load %arg5[%swap3A_826, %swap3A_827] : memref<8x8192xf32, #tpu.memory_space<vmem>>, vector<8x8192xf32>
    tpu.vector_store %arg5[%swap3A_826, %swap3A_827], %select_n3A_825 {strides = array<i32>} : memref<8x8192xf32, #tpu.memory_space<vmem>>, vector<8x8192xf32>,
    %add3A_829 = arith.constant 2.800000e+01 : f32
    %add3A_830 = arith.addf %convert_element_type3A_3, %add3A_829 : f32
    %get3A_831 = arith.constant 0 : index
    %get3A_832 = arith.constant 0 : index
    %get3A_833 = vector.load %arg6[%get3A_831, %get3A_832] : memref<8x8192xf32, #tpu.memory_space<vmem>>, vector<8x8192xf32>
    %broadcast_in_dim3A_834 = vector.broadcast %add3A_830 : f32 to vector<8x8192xf32>
    %select_n3A_835 = arith.select %gt3A_821, %broadcast_in_dim3A_834, %get3A_833 : vector<8x8192xi1>, vector<8x8192xf32>
    %swap3A_836 = arith.constant 0 : index
    %swap3A_837 = arith.constant 0 : index
    %swap3A_838 = vector.load %arg6[%swap3A_836, %swap3A_837] : memref<8x8192xf32, #tpu.memory_space<vmem>>, vector<8x8192xf32>
    tpu.vector_store %arg6[%swap3A_836, %swap3A_837], %select_n3A_835 {strides = array<i32>} : memref<8x8192xf32, #tpu.memory_space<vmem>>, vector<8x8192xf32>,
    %get3A_839 = arith.constant 232 : index
    %get3A_840 = arith.constant 0 : index
    %get3A_841 = vector.load %arg2[%get3A_839, %get3A_840] : memref<256x8192xf32, #tpu.memory_space<vmem>>, vector<8x8192xf32>
    %get3A_842 = arith.constant 232 : index
    %get3A_843 = arith.constant 0 : index
    %get3A_844 = vector.load %arg1[%get3A_842, %get3A_843] : memref<256x1xf32, #tpu.memory_space<vmem>>, vector<8x1xf32>
    %mul3A_845 = vector.broadcast %get3A_844 : vector<8x1xf32> to vector<8x8192xf32>
    %mul3A_846 = arith.mulf %get3A_841, %mul3A_845 : vector<8x8192xf32>
    %get3A_847 = arith.constant 0 : index
    %get3A_848 = arith.constant 0 : index
    %get3A_849 = vector.load %arg5[%get3A_847, %get3A_848] : memref<8x8192xf32, #tpu.memory_space<vmem>>, vector<8x8192xf32>
    %gt3A_850 = arith.cmpf ogt, %mul3A_846, %get3A_849 : vector<8x8192xf32>
    %get3A_851 = arith.constant 0 : index
    %get3A_852 = arith.constant 0 : index
    %get3A_853 = vector.load %arg5[%get3A_851, %get3A_852] : memref<8x8192xf32, #tpu.memory_space<vmem>>, vector<8x8192xf32>
    %select_n3A_854 = arith.select %gt3A_850, %mul3A_846, %get3A_853 : vector<8x8192xi1>, vector<8x8192xf32>
    %swap3A_855 = arith.constant 0 : index
    %swap3A_856 = arith.constant 0 : index
    %swap3A_857 = vector.load %arg5[%swap3A_855, %swap3A_856] : memref<8x8192xf32, #tpu.memory_space<vmem>>, vector<8x8192xf32>
    tpu.vector_store %arg5[%swap3A_855, %swap3A_856], %select_n3A_854 {strides = array<i32>} : memref<8x8192xf32, #tpu.memory_space<vmem>>, vector<8x8192xf32>,
    %add3A_858 = arith.constant 2.900000e+01 : f32
    %add3A_859 = arith.addf %convert_element_type3A_3, %add3A_858 : f32
    %get3A_860 = arith.constant 0 : index
    %get3A_861 = arith.constant 0 : index
    %get3A_862 = vector.load %arg6[%get3A_860, %get3A_861] : memref<8x8192xf32, #tpu.memory_space<vmem>>, vector<8x8192xf32>
    %broadcast_in_dim3A_863 = vector.broadcast %add3A_859 : f32 to vector<8x8192xf32>
    %select_n3A_864 = arith.select %gt3A_850, %broadcast_in_dim3A_863, %get3A_862 : vector<8x8192xi1>, vector<8x8192xf32>
    %swap3A_865 = arith.constant 0 : index
    %swap3A_866 = arith.constant 0 : index
    %swap3A_867 = vector.load %arg6[%swap3A_865, %swap3A_866] : memref<8x8192xf32, #tpu.memory_space<vmem>>, vector<8x8192xf32>
    tpu.vector_store %arg6[%swap3A_865, %swap3A_866], %select_n3A_864 {strides = array<i32>} : memref<8x8192xf32, #tpu.memory_space<vmem>>, vector<8x8192xf32>,
    %get3A_868 = arith.constant 240 : index
    %get3A_869 = arith.constant 0 : index
    %get3A_870 = vector.load %arg2[%get3A_868, %get3A_869] : memref<256x8192xf32, #tpu.memory_space<vmem>>, vector<8x8192xf32>
    %get3A_871 = arith.constant 240 : index
    %get3A_872 = arith.constant 0 : index
    %get3A_873 = vector.load %arg1[%get3A_871, %get3A_872] : memref<256x1xf32, #tpu.memory_space<vmem>>, vector<8x1xf32>
    %mul3A_874 = vector.broadcast %get3A_873 : vector<8x1xf32> to vector<8x8192xf32>
    %mul3A_875 = arith.mulf %get3A_870, %mul3A_874 : vector<8x8192xf32>
    %get3A_876 = arith.constant 0 : index
    %get3A_877 = arith.constant 0 : index
    %get3A_878 = vector.load %arg5[%get3A_876, %get3A_877] : memref<8x8192xf32, #tpu.memory_space<vmem>>, vector<8x8192xf32>
    %gt3A_879 = arith.cmpf ogt, %mul3A_875, %get3A_878 : vector<8x8192xf32>
    %get3A_880 = arith.constant 0 : index
    %get3A_881 = arith.constant 0 : index
    %get3A_882 = vector.load %arg5[%get3A_880, %get3A_881] : memref<8x8192xf32, #tpu.memory_space<vmem>>, vector<8x8192xf32>
    %select_n3A_883 = arith.select %gt3A_879, %mul3A_875, %get3A_882 : vector<8x8192xi1>, vector<8x8192xf32>
    %swap3A_884 = arith.constant 0 : index
    %swap3A_885 = arith.constant 0 : index
    %swap3A_886 = vector.load %arg5[%swap3A_884, %swap3A_885] : memref<8x8192xf32, #tpu.memory_space<vmem>>, vector<8x8192xf32>
    tpu.vector_store %arg5[%swap3A_884, %swap3A_885], %select_n3A_883 {strides = array<i32>} : memref<8x8192xf32, #tpu.memory_space<vmem>>, vector<8x8192xf32>,
    %add3A_887 = arith.constant 3.000000e+01 : f32
    %add3A_888 = arith.addf %convert_element_type3A_3, %add3A_887 : f32
    %get3A_889 = arith.constant 0 : index
    %get3A_890 = arith.constant 0 : index
    %get3A_891 = vector.load %arg6[%get3A_889, %get3A_890] : memref<8x8192xf32, #tpu.memory_space<vmem>>, vector<8x8192xf32>
    %broadcast_in_dim3A_892 = vector.broadcast %add3A_888 : f32 to vector<8x8192xf32>
    %select_n3A_893 = arith.select %gt3A_879, %broadcast_in_dim3A_892, %get3A_891 : vector<8x8192xi1>, vector<8x8192xf32>
    %swap3A_894 = arith.constant 0 : index
    %swap3A_895 = arith.constant 0 : index
    %swap3A_896 = vector.load %arg6[%swap3A_894, %swap3A_895] : memref<8x8192xf32, #tpu.memory_space<vmem>>, vector<8x8192xf32>
    tpu.vector_store %arg6[%swap3A_894, %swap3A_895], %select_n3A_893 {strides = array<i32>} : memref<8x8192xf32, #tpu.memory_space<vmem>>, vector<8x8192xf32>,
    %get3A_897 = arith.constant 248 : index
    %get3A_898 = arith.constant 0 : index
    %get3A_899 = vector.load %arg2[%get3A_897, %get3A_898] : memref<256x8192xf32, #tpu.memory_space<vmem>>, vector<8x8192xf32>
    %get3A_900 = arith.constant 248 : index
    %get3A_901 = arith.constant 0 : index
    %get3A_902 = vector.load %arg1[%get3A_900, %get3A_901] : memref<256x1xf32, #tpu.memory_space<vmem>>, vector<8x1xf32>
    %mul3A_903 = vector.broadcast %get3A_902 : vector<8x1xf32> to vector<8x8192xf32>
    %mul3A_904 = arith.mulf %get3A_899, %mul3A_903 : vector<8x8192xf32>
    %get3A_905 = arith.constant 0 : index
    %get3A_906 = arith.constant 0 : index
    %get3A_907 = vector.load %arg5[%get3A_905, %get3A_906] : memref<8x8192xf32, #tpu.memory_space<vmem>>, vector<8x8192xf32>
    %gt3A_908 = arith.cmpf ogt, %mul3A_904, %get3A_907 : vector<8x8192xf32>
    %get3A_909 = arith.constant 0 : index
    %get3A_910 = arith.constant 0 : index
    %get3A_911 = vector.load %arg5[%get3A_909, %get3A_910] : memref<8x8192xf32, #tpu.memory_space<vmem>>, vector<8x8192xf32>
    %select_n3A_912 = arith.select %gt3A_908, %mul3A_904, %get3A_911 : vector<8x8192xi1>, vector<8x8192xf32>
    %swap3A_913 = arith.constant 0 : index
    %swap3A_914 = arith.constant 0 : index
    %swap3A_915 = vector.load %arg5[%swap3A_913, %swap3A_914] : memref<8x8192xf32, #tpu.memory_space<vmem>>, vector<8x8192xf32>
    tpu.vector_store %arg5[%swap3A_913, %swap3A_914], %select_n3A_912 {strides = array<i32>} : memref<8x8192xf32, #tpu.memory_space<vmem>>, vector<8x8192xf32>,
    %add3A_916 = arith.constant 3.100000e+01 : f32
    %add3A_917 = arith.addf %convert_element_type3A_3, %add3A_916 : f32
    %get3A_918 = arith.constant 0 : index
    %get3A_919 = arith.constant 0 : index
    %get3A_920 = vector.load %arg6[%get3A_918, %get3A_919] : memref<8x8192xf32, #tpu.memory_space<vmem>>, vector<8x8192xf32>
    %broadcast_in_dim3A_921 = vector.broadcast %add3A_917 : f32 to vector<8x8192xf32>
    %select_n3A_922 = arith.select %gt3A_908, %broadcast_in_dim3A_921, %get3A_920 : vector<8x8192xi1>, vector<8x8192xf32>
    %swap3A_923 = arith.constant 0 : index
    %swap3A_924 = arith.constant 0 : index
    %swap3A_925 = vector.load %arg6[%swap3A_923, %swap3A_924] : memref<8x8192xf32, #tpu.memory_space<vmem>>, vector<8x8192xf32>
    tpu.vector_store %arg6[%swap3A_923, %swap3A_924], %select_n3A_922 {strides = array<i32>} : memref<8x8192xf32, #tpu.memory_space<vmem>>, vector<8x8192xf32>,
    %eq3A_926 = arith.constant 30 : i32
    %eq3A_927 = arith.cmpi eq, %arg0, %eq3A_926 : i32
    %convert_element_type3A_928 = arith.extui %eq3A_927 : i1 to i32
    %cond3A_929 = arith.constant 0 : i32
    %cond3A_930 = arith.cmpi ne, %convert_element_type3A_928, %cond3A_929 : i32
    scf.if %cond3A_930 {
      %get3A_931 = arith.constant 0 : index
      %get3A_932 = arith.constant 0 : index
      %get3A_933 = vector.load %arg5[%get3A_931, %get3A_932] : memref<8x8192xf32, #tpu.memory_space<vmem>>, vector<8x8192xf32>
      %iota3A = tpu.iota {dimensions = array<i32: 0>} : vector<8x8192xi32>
      %get3A_934 = arith.constant 0 : index
      %get3A_935 = arith.constant 0 : index
      %get3A_936 = vector.load %arg6[%get3A_934, %get3A_935] : memref<8x8192xf32, #tpu.memory_space<vmem>>, vector<8x8192xf32>
      %mul3A_937 = arith.constant 8.000000e+00 : f32
      %mul3A_938 = vector.broadcast %mul3A_937 : f32 to vector<8x8192xf32>
      %mul3A_939 = arith.mulf %get3A_936, %mul3A_938 : vector<8x8192xf32>
      %convert_element_type3A_940 = arith.sitofp %iota3A : vector<8x8192xi32> to vector<8x8192xf32>
      %add3A_941 = arith.addf %mul3A_939, %convert_element_type3A_940 : vector<8x8192xf32>
      %reduce_max3A = arith.constant dense<0xFF800000> : vector<8192xf32>
      %reduce_max3A_942 = vector.multi_reduction <maximumf>, %get3A_933, %reduce_max3A [0] : vector<8x8192xf32> to vector<8192xf32>
      %broadcast_in_dim3A_943 = vector.shape_cast %reduce_max3A_942 : vector<8192xf32> to vector<1x8192xf32>
      %eq3A_944 = vector.broadcast %broadcast_in_dim3A_943 : vector<1x8192xf32> to vector<8x8192xf32>
      %eq3A_945 = arith.cmpf oeq, %get3A_933, %eq3A_944 : vector<8x8192xf32>
      %jit3A = arith.constant 3.000000e+38 : f32
      %broadcast_in_dim3A_946 = vector.broadcast %jit3A : f32 to vector<8x8192xf32>
      %select_n3A_947 = arith.select %eq3A_945, %add3A_941, %broadcast_in_dim3A_946 : vector<8x8192xi1>, vector<8x8192xf32>
      %swap3A_948 = arith.constant 0 : index
      %swap3A_949 = arith.constant 0 : index
      %swap3A_950 = vector.load %arg3[%swap3A_948, %swap3A_949] : memref<1x8192xf32, #tpu.memory_space<vmem>>, vector<1x8192xf32>
      tpu.vector_store %arg3[%swap3A_948, %swap3A_949], %broadcast_in_dim3A_943 {strides = array<i32>} : memref<1x8192xf32, #tpu.memory_space<vmem>>, vector<1x8192xf32>,
      %reduce_min3A = arith.constant dense<0x7F800000> : vector<8192xf32>
      %reduce_min3A_951 = vector.multi_reduction <minimumf>, %select_n3A_947, %reduce_min3A [0] : vector<8x8192xf32> to vector<8192xf32>
      %broadcast_in_dim3A_952 = vector.shape_cast %reduce_min3A_951 : vector<8192xf32> to vector<1x8192xf32>
      %swap3A_953 = arith.constant 0 : index
      %swap3A_954 = arith.constant 0 : index
      %swap3A_955 = vector.load %arg4[%swap3A_953, %swap3A_954] : memref<1x8192xf32, #tpu.memory_space<vmem>>, vector<1x8192xf32>
      tpu.vector_store %arg4[%swap3A_953, %swap3A_954], %broadcast_in_dim3A_952 {strides = array<i32>} : memref<1x8192xf32, #tpu.memory_space<vmem>>, vector<1x8192xf32>,
    } else {
    }
    return
  }
  func.func @transform_0(%arg0: i32) -> (i32, i32) {
    %c0_i32 = arith.constant 0 : i32
    %c0_i32_0 = arith.constant 0 : i32
    return %arg0, %c0_i32 : i32, i32
  }
  func.func @transform_1(%arg0: i32) -> (i32, i32) {
    %c0_i32 = arith.constant 0 : i32
    %c0_i32_0 = arith.constant 0 : i32
    return %arg0, %c0_i32 : i32, i32
  }
  func.func @transform_2(%arg0: i32) -> (i32, i32) {
    %c0_i32 = arith.constant 0 : i32
    %c0_i32_0 = arith.constant 0 : i32
    %c0_i32_1 = arith.constant 0 : i32
    return %c0_i32, %c0_i32_0 : i32, i32
  }
  func.func @transform_3(%arg0: i32) -> (i32, i32) {
    %c0_i32 = arith.constant 0 : i32
    %c0_i32_0 = arith.constant 0 : i32
    %c0_i32_1 = arith.constant 0 : i32
    return %c0_i32, %c0_i32_0 : i32, i32
  }
}

</mosaic_0001>

<sc_bundles>
// kernel: kernel.5.cloned.1.call-start
scs
__scs_entry_jumppad:
0x0: {  	(pc) =	sbr.rel $0x88, $3  }
0x1: {  	(tag) =	ssettag $0x0;
	lr =	simm.s32 $0x1  }
0x2: {  	[smem:$0x3F9F] =	sst lr;
	_ =	strace $0xD0000000  }
0x3: {  	_ = 	snop  }
0x4: {  	_ = 	snop  }
0x5: {  	_ = 	snop  }
0x6: {  	_ = 	snop  }
0x7: {  	_ = 	snop  }
__scs_overlays_trampoline_lowered:
0x8: {  	[smem:$0x3FAE] =	sst s0  }
0x9: {  	[smem:$0x3FAF] =	sst s1  }
0xa: {  	[smem:$0x3FB0] =	sst s2  }
0xb: {  	[smem:$0x3FB1] =	sst s3  }
0xc: {  	[smem:$0x3FB2] =	sst s4  }
0xd: {  	[smem:$0x3FB3] =	sst s5  }
0xe: {  	[smem:$0x3FB4] =	sst s6  }
0xf: {  	[smem:$0x3FB5] =	sst s7  }
0x10: {  	[smem:$0x3FB6] =	sst s8  }
0x11: {  	[smem:$0x3FB7] =	sst s9;
	s0 =	simm.s32 @!p0 $0x0  }
0x12: {  	s1 =	sld [smem:$0x3F9D];
	s0 =	simm.s32 @p0 $0x1  }
0x13: {  	[smem:$0x3FB8] =	sst s0;
	s0 =	simm.s32 @!p1 $0x0  }
0x14: {  	s2 =	sld [smem:$0x3F9C];
	s0 =	simm.s32 @p1 $0x1  }
0x15: {  	[smem:$0x3FB9] =	sst s0;
	s0 =	simm.s32 @!p2 $0x0  }
0x16: {  	s3 =	sld [smem:$0x3FDB];
	s0 =	simm.s32 @p2 $0x1  }
0x17: {  	s4 =	simm.s32 $0x1BF5;
	[smem:$0x3FBB] =	sst s0  }
0x18: {  	s0 =	sld [smem:$0x3F9E];
	_ =	swait.ge [sflag:s4], $0x0  }
0x19: {  	s7 =	sld [smem:$0x3F9F]  }
0x1a: {  	s8 =	sadd.s32 $0xFFFFE003, lr  }
0x1b: {  	s9 =	sadd.s32 $0xFFFFFEF7, lr;
	s5 =	simm.s32 $0xFFFFFFFF;
	p2 =	slt.u32 s8, $0xFFFFF086  }
0x1c: {  	p1 =	slt.u32 s9, $0xF7A;
	s5 =	simm.s32 @!p2 $0x0  }
0x1d: {  	s5 =	simm.s32 @p1 $0x1;
	p0 =	seq.s32 s7, s2  }
0x1e: {  	s7 =	smul.u32 @!p0 $0xF7A, s2;
	p2 =	seq.s32 @!p0 s5, $0x0  }
0x1f: {  	s9 =	smul.u32 $0xF7A, s1;
	s8 =	simm.s32 @!p0 $0x1BF5;
	p2 =	por !p2, p0  }
0x20: {  	[sflag:s8] =	ssyncset.s32 @!p0 $0xFFFFF086;
	s6 =	sadd.s32 @!p0 s3, s7;
	s7 =	simm.s32 @!p0 $0x108  }
0x21: {  	s3 =	sadd.s32 s3, s9;
	s6 =	sadd.s32 @!p0 $0x88, s6;
	s7 =	simm.s32 @p2 $0x1082  }
0x22: {  	[simem:s7], [sflag:s8] =	dma.local @!p0 [hbm:s6], $0xF7A  }
0x23: {  	s9 =	sor.u32 $0xD0000000, s2;
	s6 =	simm.s32 $0x108;
	_ =	swait.ge @!p0 [sflag:s8], $0x0  }
0x24: {  	s3 =	sadd.s32 $0x88, s3;
	s6 =	simm.s32 @!p1 $0x1082;
	[sflag:s4] =	ssyncset.s32 $0xFFFFF086  }
0x25: {  	[simem:s6], [sflag:s4] =	dma.local [hbm:s3], $0xF7A  }
0x26: {  	[smem:$0x3F9F] =	sst s1;
	(tag) =	ssettag s2;
	_ =	strace s9  }
0x27: {  	s1 =	sld [smem:$0x3FAF]  }
0x28: {  	s2 =	sld [smem:$0x3FB0]  }
0x29: {  	s4 =	sld [smem:$0x3FB2]  }
0x2a: {  	p0 =	seq.s32 s5, $0x0;
	s5 =	sld [smem:$0x3FB3]  }
0x2b: {  	s6 =	sld [smem:$0x3FB4]  }
0x2c: {  	s7 =	sld [smem:$0x3FB5]  }
0x2d: {  	s3 =	simm.s32 $0x108;
	s8 =	sld [smem:$0x3FB6]  }
0x2e: {  	s3 =	simm.s32 @!p0 $0x1082;
	s9 =	sld [smem:$0x3FB7]  }
0x2f: {  	lr =	sadd.s32 s0, s3;
	s0 =	sld [smem:$0x3FAE]  }
0x30: {  	s3 =	sld [smem:$0x3FB1]  }
0x31: {  	[smem:$0x3FBA] =	sst s10  }
0x32: {  	s10 =	sld [smem:$0x3FB8];
	_ =	sdelay $0x3  }
0x33: {  	p0 =	seq.s32 s10, $0x1;
	s10 =	sld [smem:$0x3FBA];
	_ =	sdelay $0x3  }
0x34: {  	[smem:$0x3FBA] =	sst s10  }
0x35: {  	s10 =	sld [smem:$0x3FB9];
	_ =	sdelay $0x3  }
0x36: {  	p1 =	seq.s32 s10, $0x1;
	s10 =	sld [smem:$0x3FBA];
	_ =	sdelay $0x3  }
0x37: {  	[smem:$0x3FBA] =	sst s10  }
0x38: {  	s10 =	sld [smem:$0x3FBB]  }
0x39: {  	_ = 	snop;
	(pc) =	sbr.ind lr, $3  }
0x3a: {  	_ = 	snop  }
0x3b: {  	_ = 	snop  }
0x3c: {  	p2 =	seq.s32 s10, $0x1;
	s10 =	sld [smem:$0x3FBA]  }
0x3d: {  	_ =	shalt  }
0x3e: {  	_ =	shalt  }
0x3f: {  	_ =	shalt  }
0x40: {  	_ =	shalt  }
0x41: {  	_ =	shalt  }
0x42: {  	_ =	shalt  }
0x43: {  	_ =	shalt  }
0x44: {  	_ =	shalt  }
0x45: {  	_ =	shalt  }
0x46: {  	_ =	shalt  }
0x47: {  	_ =	shalt  }
0x48: {  	_ =	shalt  }
0x49: {  	_ =	shalt  }
0x4a: {  	_ =	shalt  }
0x4b: {  	_ =	shalt  }
0x4c: {  	_ =	shalt  }
0x4d: {  	_ =	shalt  }
0x4e: {  	_ =	shalt  }
0x4f: {  	_ =	shalt  }
0x50: {  	_ =	shalt  }
0x51: {  	_ =	shalt  }
0x52: {  	_ =	shalt  }
0x53: {  	_ =	shalt  }
0x54: {  	_ =	shalt  }
0x55: {  	_ =	shalt  }
0x56: {  	_ =	shalt  }
0x57: {  	_ =	shalt  }
0x58: {  	_ =	shalt  }
0x59: {  	_ =	shalt  }
0x5a: {  	_ =	shalt  }
0x5b: {  	_ =	shalt  }
0x5c: {  	_ =	shalt  }
0x5d: {  	_ =	shalt  }
0x5e: {  	_ =	shalt  }
0x5f: {  	_ =	shalt  }
0x60: {  	_ =	shalt  }
0x61: {  	_ =	shalt  }
0x62: {  	_ =	shalt  }
0x63: {  	_ =	shalt  }
0x64: {  	_ =	shalt  }
0x65: {  	_ =	shalt  }
0x66: {  	_ =	shalt  }
0x67: {  	_ =	shalt  }
0x68: {  	_ =	shalt  }
0x69: {  	_ =	shalt  }
0x6a: {  	_ =	shalt  }
0x6b: {  	_ =	shalt  }
0x6c: {  	_ =	shalt  }
0x6d: {  	_ =	shalt  }
0x6e: {  	_ =	shalt  }
0x6f: {  	_ =	shalt  }
0x70: {  	_ =	shalt  }
0x71: {  	_ =	shalt  }
0x72: {  	_ =	shalt  }
0x73: {  	_ =	shalt  }
0x74: {  	_ =	shalt  }
0x75: {  	_ =	shalt  }
0x76: {  	_ =	shalt  }
0x77: {  	_ =	shalt  }
0x78: {  	_ =	shalt  }
0x79: {  	_ =	shalt  }
0x7a: {  	_ =	shalt  }
0x7b: {  	_ =	shalt  }
0x7c: {  	_ =	shalt  }
0x7d: {  	_ =	shalt  }
0x7e: {  	_ =	shalt  }
0x7f: {  	_ =	shalt  }
0x80: {  	_ =	shalt  }
0x81: {  	_ =	shalt  }
0x82: {  	_ =	shalt  }
0x83: {  	_ =	shalt  }
0x84: {  	_ =	shalt  }
0x85: {  	_ =	shalt  }
0x86: {  	_ =	shalt  }
0x87: {  	_ =	shalt  }
.Lfunc_end0:
.L_simem_size_0:
called_computation_lowered:
.L_overlay_start_0:
0x88: {  	s2 =	sld [smem:$0x3FD9]  }
0x89: {  	s3 =	sld [smem:$0x3FFE];
	_ =	sdelay $0x1  }
0x8a: {  	s1 =	srdreg.scid  }
0x8b: {  	s0 =	sand.u32 $0x1, s1  }
0x8c: {  	s14 =	sshll.u32 s0, $0xA;
	s2 =	sadd.s32 s3, s2  }
0x8d: {  	s2 =	sadd.s32 s2, s14  }
0x8e: {  	[smem:$0x3FC6] =	sst s2  }
0x8f: {  	_ = 	snop  }
0x90: {  	s2 =	sld [smem:$0x3FD0];
	_ =	sdelay $0x2  }
0x91: {  	s4 =	simm.s32 $0xA;
	s5 =	simm.s32 $0x10;
	s15 =	sld [smem:$0x3FC8]  }
0x92: {  	[smem:s5], [sflag:s4] =	dma.local [hbm:s2], $0x1  }
0x93: {  	_ =	swait.eq [sflag:s4], $0x1  }
0x94: {  	[sflag:s4] =	ssyncset.done $0x0  }
0x95: {  	s16 =	sld [smem:$0x10];
	[sflag:s4] =	ssyncadd.s32 $0xFFFFFFFF  }
0x96: {  	s17 =	sld [smem:$0x11];
	(tm) =	ssettm $0x1  }
0x97: {  	s18 =	sld [smem:$0x3FFB];
	_ =	sdelay $0x3  }
0x98: {  	_ =	strace s18  }
0x99: {  	s5 =	sld [smem:$0x3FFC];
	_ =	sdelay $0x3  }
0x9a: {  	_ =	strace s5  }
0x9b: {  	s5 =	sld [smem:$0x3FFD];
	_ =	sdelay $0x3  }
0x9c: {  	_ =	strace s5  }
0x9d: {  	_ =	strace $0x8FFFFFFF  }
0x9e: {  	s19 =	sld [smem:$0x3FDB];
	_ =	sdelay $0x1  }
0x9f: {  	s6 =	simm.s32 $_scs_section_size  }
0xa0: {  	s7 =	simm.s32 $_size__tile_overlayer_lowered;
	s8 =	simm.s32 $_tile_overlayer_lowered  }
0xa1: {  	s22 =	simm.s32 $0x1BFF;
	s21 =	sshll.u32 s8, $0x1;
	s5 =	sadd.s32 s6, s19  }
0xa2: {  	s9 =	simm.s32 $0x0;
	s20 =	sshll.u32 s7, $0x1;
	s7 =	sadd.s32 s21, s5  }
0xa3: {  	[timem:s9], [sflag:s22] =	dma.local [hbm:s7], s20  }
0xa4: {  	_ =	swait.ge [sflag:s22], s20  }
0xa5: {  	s6 =	ssub.s32 $0x0, s20;
	[sflag:s22] =	ssyncset.done $0x0  }
0xa6: {  	[sflag:s22] =	ssyncadd.s32 s6;
	_ =	sdelay $0x1  }
0xa7: {  	s23 =	simm.s32 $0x1B8B  }
0xa8: {  	_ =	swait.ge [sflag:s23], $0x1  }
0xa9: {  	[sflag:s23] =	ssyncset.done $0x0  }
0xaa: {  	s25 =	simm.s32 $0x1B8E;
	s24 =	sld [smem:$0x3FFE];
	[sflag:s23] =	ssyncadd.s32 $0xFFFFFFFF  }
0xab: {  	s26 =	simm.s32 $execute0_lowered;
	[smem:$0x3FD2] =	sst s25  }
0xac: {  	s7 =	sshll.u32 s26, $0x1;
	_ =	strace $0x80000046;
	[dreg:$0x1] =	wrdreg $0xFFFFFFFF  }
0xad: {  	s28 =	simm.s32 $_size_execute0_lowered;
	s5 =	sadd.s32 s5, s7;
	[dreg:$0x0] =	wrdreg $0x0  }
0xae: {  	s7 =	sshll.u32 s28, $0x1;
	[dreg:$0x2] =	wrdreg s5  }
0xaf: {  	[dreg:$0x3] =	wrdreg s7  }
0xb0: {  	[dreg:$0x4] =	wrdreg $0xC0  }
0xb1: {  	_ =	task [dreg:s9], $0x5FFFF  }
0xb2: {  	[dreg:$0x1] =	wrdreg $0xFFFFFFFF  }
0xb3: {  	[dreg:$0x0] =	wrdreg $0x60  }
0xb4: {  	[dreg:$0x2] =	wrdreg s15  }
0xb5: {  	[dreg:$0x3] =	wrdreg s24  }
0xb6: {  	[dreg:$0x4] =	wrdreg s17  }
0xb7: {  	[dreg:$0x5] =	wrdreg s16  }
0xb8: {  	[dreg:$0x6] =	wrdreg $0x9  }
0xb9: {  	_ =	task.clear_ibuf [dreg:s9], $0x7FFFF;
	_ =	strace $0x90000046  }
0xba: {  	s29 =	simm.s32 $0x9;
	_ =	strace $0x80000048  }
0xbb: {  	_ =	swait.ge [sflag:s29], $0x1  }
0xbc: {  	[sflag:s29] =	ssyncadd.s32 $0xFFFFFFFF  }
0xbd: {  	_ =	strace $0x90000048  }
0xbe: {  	_ =	sfence  }
0xbf: {  	s30 =	sld [smem:$0x0];
	_ =	sdelay $0x2  }
0xc0: {  	s31 =	sshll.u32 s1, $0xD;
	s1 =	sshrl.u32 s1, $0x2  }
0xc1: {  	s3 =	sand.u32 $0x4000, s31;
	s1 =	sadd.s32 s1, s30  }
0xc2: {  	s0 =	sor.u32 s3, s0;
	s1 =	sshll.u32 s1, $0x11  }
0xc3: {  	s0 =	sor.u32 s1, s0  }
0xc4: {  	s0 =	sadd.s32 $0x8F2B, s0  }
0xc5: {  	[sflag:s0] =	ssyncadd.remote.s32 $0x1  }
0xc6: {  	_ =	sfence.sel $0xFFFF  }
0xc7: {  	[dreg:$0x0] =	wrdreg $0xFFFFFFFF;
	(pc) =	sbr.abs _section_cstart, $3  }
0xc8: {  	[dreg:$0x1] =	wrdreg $0xFFFFFFFF  }
0xc9: {  	_ =	task.clear_ibuf [dreg:s9], $0x2FFFF;
	_ =	strace $0x9FFFFFFF  }
0xca: {  	(tm) =	ssettm $0x7FFFFFFF  }
0xcb: {  	_ =	shalt  }
tec
execute0_lowered:
.L_overlay_start_1:
0x0: {  	(tag) =	ssettag $0x1  }
0x1: {  	s3 =	rddreg [dreg:$0x0]  }
0x2: {  	s6 =	rddreg [dreg:$0x1]  }
0x3: {  	s7 =	rddreg [dreg:$0x2];
	s0 =	srdreg.scid  }
0x4: {  	s8 =	rddreg [dreg:$0x3];
	s1 =	stileid.u32;
	s2 =	simm.s32 $0x0  }
0x5: {  	s12 =	simm.s32 $0x14000;
	s13 =	simm.s32 $0x1;
	s14 =	simm.s32 $0x3  }
0x6: {  	s15 =	simm.s32 $0x2;
	s16 =	simm.s32 $0x4;
	s17 =	simm.s32 $0x18000  }
0x7: {  	s18 =	simm.s32 $0x5;
	s19 =	simm.s32 $0x18100;
	s20 =	simm.s32 $0x0  }
0x8: {  	s4 =	sand.u32 $0x1, s0;
	s0 =	rddreg [dreg:$0x4];
	s5 =	sshll.u32 s1, $0x9  }
0x9: {  	[smem:$0x7FF] =	sst s2;
	s9 =	sshll.u32 s4, $0x8;
	s4 =	ssub.s32 $0x2, s4  }
0xa: {  	_ =	strace $0x80000047;
	s9 =	sor.u32 s9, s5;
	s31 =	sshrl.u32 s4, $0x1  }
0xb: {  	s10 =	sadd.s32 s9, s3;
	s11 =	ssub.s32 s4, s31;
	s4 =	sadd.s32 $0x20200, s6  }
0xc: {  	s9 =	sshrl.u32 s9, $0x3;
	s6 =	sadd.s32 $0x20A00, s6;
	s3 =	sadd.s32 $0x7C0000, s10  }
0xd: {  	s5 =	sadd.s32 $0x7E0000, s10;
	s7 =	sadd.s32 s7, s9;
	s8 =	sadd.s32 s8, s9  }
0xe: {  	s9 =	smax.u32 s11, $0x1;
	s10 =	simm.s32 $0x800;
	s11 =	simm.s32 $0x8000  }
.LBB2_1:
0xf: {  	s22 =	simm.s32 $0x10000  }
0x10: {  	[tilespmem:s2], [sflag:$0x1] =	stream.strided.gather [hbm4b:s3+s10], $0x8000, s22, s10, $0x38;
	[tilespmem:$0x18200] =	vst v63  }
0x11: {  	_ = 	snop  }
0x12: {  	[tilespmem:s22], [sflag:$0x3] =	stream.linear.gather [hbm4b:s4+s2], $0x4000, $0x38;
	[tilespmem:$0x18200] =	vst v63  }
0x13: {  	_ = 	snop  }
0x14: {  	[tilespmem:s11], [sflag:$0x2] =	stream.strided.gather [hbm4b:s5+s10], $0x8000, s22, s10, $0x38;
	[tilespmem:$0x18200] =	vst v63  }
0x15: {  	_ = 	snop  }
0x16: {  	[tilespmem:s12], [sflag:$0x4] =	stream.linear.gather [hbm4b:s6+s2], $0x4000, $0x38;
	[tilespmem:$0x18200] =	vst v63  }
0x17: {  	_ =	swait.ge [sflag:s13], $0x8000  }
0x18: {  	[sflag:s13] =	ssyncset.done $0x0  }
0x19: {  	[sflag:s13] =	ssyncadd.s32 $0xFFFF8000  }
0x1a: {  	_ =	swait.ge [sflag:s14], $0x4000  }
0x1b: {  	[sflag:s14] =	ssyncset.done $0x0  }
0x1c: {  	s21 =	sand.u32 $0x7800, s2;
	s23 =	sand.u32 $0x380, s2;
	[sflag:s14] =	ssyncadd.s32 $0xFFFFC000  }
0x1d: {  	s23 =	sor.u32 s23, s21;
	v18 =	vld [tilespmem:s22+$0x0]  }
0x1e: {  	v0 =	vld [tilespmem:s23+$0x430]  }
0x1f: {  	v2 =	vld [tilespmem:s23+$0x410]  }
0x20: {  	v1 =	vld [tilespmem:s23+$0x450]  }
0x21: {  	v3 =	vld [tilespmem:s23+$0x420]  }
0x22: {  	v6 =	vimm.f32 $-1.000000000e+00;
	v4 =	vld [tilespmem:s23+$0x400]  }
0x23: {  	v19 =	vimm.f32 $-1.000000000e+00;
	v16 =	vimm.f32 $-1.000000000e+00;
	v17 =	vimm.f32 $-1.000000000e+00;
	v5 =	vld [tilespmem:s23+$0x440]  }
0x24: {  	v22 =	vimm.s32 $0x0;
	v23 =	vimm.s32 $0x0;
	v20 =	vimm.s32 $0x0;
	v7 =	vld [tilespmem:s23+$0x460]  }
0x25: {  	v32 =	vimm.s32 $0x0;
	v26 =	vimm.f32 $-1.000000000e+00;
	v24 =	vimm.f32 $-1.000000000e+00;
	v8 =	vld [tilespmem:s23+$0x470]  }
0x26: {  	v25 =	vimm.f32 $-1.000000000e+00;
	v31 =	vimm.s32 $0x0;
	v27 =	vimm.f32 $-1.000000000e+00;
	v11 =	vld [tilespmem:s23+$0x70]  }
0x27: {  	v29 =	vimm.s32 $0x0;
	v28 =	vimm.s32 $0x0;
	v15 =	vld [tilespmem:s23+$0x50];
	v9 =	vmul.f32 v1, v18  }
0x28: {  	v35 =	vimm.s32 $0x0;
	v4 =	vmul.f32 v4, v18;
	v21 =	vmul.f32 v3, v18  }
0x29: {  	v36 =	vimm.s32 $0x0;
	v5 =	vmul.f32 v5, v18;
	v7 =	vmul.f32 v7, v18  }
0x2a: {  	v34 =	vimm.f32 $-1.000000000e+00;
	v39 =	vmul.f32 v8, v18;
	v8 =	vmul.f32 v2, v18  }
0x2b: {  	v1 =	vimm.s32 $0x0;
	v38 =	vmul.f32 v11, v18;
	v2 =	vmul.f32 v0, v18  }
0x2c: {  	v3 =	vld [tilespmem:s23+$0x0];
	v40 =	vmul.f32 v15, v18;
	v0 =	vimm.f32 $-1.000000000e+00;
	vm0 =	vgt.f32 v9, v6  }
0x2d: {  	vm1 =	vgt.f32 v4, v6;
	vm2 =	vgt.f32 v21, v6;
	v12 =	vsel vm0, v9, v6;
	v9 =	vld [tilespmem:s23+$0x10]  }
0x2e: {  	vm8 =	vgt.f32 v5, v6;
	vm3 =	vgt.f32 v7, v6;
	v10 =	vsel vm1, v4, v6;
	v4 =	vld [tilespmem:s23+$0x60]  }
0x2f: {  	s21 =	simm.s32 $0x1F00;
	vm5 =	vgt.f32 v39, v6;
	vm4 =	vgt.f32 v8, v6;
	vm7 =	vgt.f32 v2, v6  }
0x30: {  	vm6 =	vgt.f32 v40, v6;
	v14 =	vsel vm1, s21, v1;
	v13 =	vsel vm3, v7, v6  }
0x31: {  	v15 =	vsel vm4, v8, v6;
	v11 =	vsel vm8, v5, v6;
	v8 =	vsel vm7, s21, v1  }
0x32: {  	v41 =	vld [tilespmem:s23+$0x20];
	v5 =	vimm.s32 $0x0;
	v7 =	vimm.s32 $0x0;
	v33 =	vmul.f32 v9, v18  }
0x33: {  	v30 =	vmul.f32 v3, v18;
	v3 =	vimm.s32 $0x0;
	v37 =	vmul.f32 v4, v18  }
0x34: {  	s24 =	simm.s32 $0x1F01;
	s25 =	simm.s32 $0x80;
	s26 =	simm.s32 $0x100;
	v42 =	vld [tilespmem:s23+$0x40];
	v9 =	vsel vm8, s21, v1;
	v4 =	vimm.f32 $-1.000000000e+00;
	vm1 =	vgt.f32 v33, v6  }
.LBB2_2:
0x35: {  	s28 =	sand.u32 $0x7800, s26  }
0x36: {  	s29 =	sand.u32 $0x380, s25;
	v43 =	vld [tilespmem:s23+$0x30];
	vm8 =	vgt.f32 v38, v6;
	v0 =	vsel vm7, v2, v0;
	v19 =	vsel vm5, v39, v19;
	s22 =	sadd.s32 $0x80, s22;
	s30 =	smov.u32 s24  }
0x37: {  	p0 =	sne.s32 s24, $0x1F7F;
	s24 =	sadd.s32 $0x1, s24;
	v39 =	vmul.f32 v41, v18;
	v4 =	vsel vm2, v21, v4;
	v1 =	vsel vm5, s21, v1;
	v2 =	vld [tilespmem:s22+$0x0];
	s23 =	sor.u32 s29, s28  }
0x38: {  	v16 =	vsel vm6, v40, v16;
	v5 =	vsel vm6, s21, v5;
	v7 =	vsel vm2, s21, v7;
	v44 =	vld [tilespmem:s23+$0x430]  }
0x39: {  	v3 =	vsel vm4, s21, v3;
	v22 =	vsel vm3, s21, v22;
	vm2 =	vgt.f32 v39, v17;
	v40 =	vld [tilespmem:s23+$0x410]  }
0x3a: {  	v17 =	vsel vm2, v39, v17;
	v23 =	vsel vm2, s21, v23;
	v21 =	vld [tilespmem:s23+$0x450];
	v39 =	vmul.f32 v42, v18  }
0x3b: {  	v32 =	vsel vm0, s21, v32;
	v6 =	vsel vm8, v38, v6;
	v20 =	vsel vm8, s21, v20;
	v42 =	vld [tilespmem:s23+$0x460]  }
0x3c: {  	vm0 =	vgt.f32 v30, v26;
	vm2 =	vgt.f32 v37, v24;
	v41 =	vmul.f32 v43, v18;
	v38 =	vld [tilespmem:s23+$0x420];
	v18 =	vmovc v2  }
0x3d: {  	v31 =	vsel vm2, s21, v31;
	vm3 =	vgt.f32 v39, v25;
	v2 =	vld [tilespmem:s23+$0x400]  }
0x3e: {  	vm4 =	vgt.f32 v41, v27;
	v25 =	vsel vm3, v39, v25;
	v43 =	vld [tilespmem:s23+$0x440]  }
0x3f: {  	v29 =	vsel vm0, s21, v29;
	v27 =	vsel vm4, v41, v27;
	v39 =	vmul.f32 v21, v18;
	v45 =	vld [tilespmem:s23+$0x470]  }
0x40: {  	v28 =	vsel vm1, s21, v28;
	v36 =	vsel vm3, s21, v36;
	v35 =	vsel vm4, s21, v35;
	s21 =	smov.u32 s30;
	v46 =	vld [tilespmem:s23+$0x70]  }
0x41: {  	v34 =	vsel vm1, v33, v34;
	v26 =	vsel vm0, v30, v26;
	v24 =	vsel vm2, v37, v24;
	v47 =	vld [tilespmem:s23+$0x50]  }
0x42: {  	v21 =	vmul.f32 v38, v18;
	vm0 =	vgt.f32 v39, v12;
	v41 =	vld [tilespmem:s23+$0x20];
	v2 =	vmul.f32 v2, v18  }
0x43: {  	v33 =	vmul.f32 v42, v18;
	v12 =	vsel vm0, v39, v12;
	v30 =	vld [tilespmem:s23+$0x0];
	v43 =	vmul.f32 v43, v18  }
0x44: {  	vm2 =	vgt.f32 v21, v4;
	v37 =	vld [tilespmem:s23+$0x10];
	vm1 =	vgt.f32 v2, v10;
	v39 =	vmul.f32 v45, v18  }
0x45: {  	vm3 =	vgt.f32 v33, v13;
	v42 =	vld [tilespmem:s23+$0x60];
	v10 =	vsel vm1, v2, v10;
	vm8 =	vgt.f32 v43, v11  }
0x46: {  	v45 =	vmul.f32 v40, v18;
	v14 =	vsel vm1, s21, v14;
	vm5 =	vgt.f32 v39, v19  }
.Ltmp0:
0x47: {  	v13 =	vsel vm3, v33, v13;
	v38 =	vmul.f32 v46, v18;
	v2 =	vmul.f32 v44, v18;
	(pc) =	sbr.rel @p0 .LBB2_2-.Ltmp0, $4  }
0x48: {  	v40 =	vmul.f32 v47, v18;
	vm4 =	vgt.f32 v45, v15;
	v30 =	vmul.f32 v30, v18  }
0x49: {  	v15 =	vsel vm4, v45, v15;
	vm7 =	vgt.f32 v2, v0;
	v33 =	vmul.f32 v37, v18  }
0x4a: {  	v11 =	vsel vm8, v43, v11;
	vm6 =	vgt.f32 v40, v16;
	v37 =	vmul.f32 v42, v18  }
0x4b: {  	s25 =	sadd.s32 $0x80, s25;
	s26 =	sadd.s32 $0x100, s26;
	v9 =	vsel vm8, s21, v9;
	v8 =	vsel vm7, s21, v8;
	vm1 =	vgt.f32 v33, v34;
	v42 =	vld [tilespmem:s23+$0x40]  }
0x4c: {  	v43 =	vld [tilespmem:s23+$0x30];
	_ =	swait.ge [sflag:s15], $0x8000  }
0x4d: {  	[sflag:s15] =	ssyncset.done $0x0  }
0x4e: {  	[sflag:s15] =	ssyncadd.s32 $0xFFFF8000  }
0x4f: {  	_ =	swait.ge [sflag:s16], $0x4000  }
0x50: {  	s31 =	simm.s32 $0x0;
	s22 =	simm.s32 $0x14000;
	[sflag:s16] =	ssyncset.done $0x0  }
0x51: {  	s24 =	sand.u32 $0x7800, s31;
	s23 =	sand.u32 $0x380, s31;
	[sflag:s16] =	ssyncadd.s32 $0xFFFFC000  }
0x52: {  	v4 =	vsel vm2, v21, v4;
	s23 =	sor.u32 s23, s24;
	v21 =	vld [tilespmem:s22+$0x0]  }
0x53: {  	v51 =	vld [tilespmem:s23+$0x8430]  }
0x54: {  	vm8 =	vgt.f32 v38, v6;
	v2 =	vsel vm7, v2, v0;
	v0 =	vsel vm5, v39, v19;
	v52 =	vld [tilespmem:s23+$0x8450]  }
0x55: {  	v50 =	vmul.f32 v41, v18;
	v1 =	vsel vm5, s21, v1;
	v16 =	vsel vm6, v40, v16;
	v54 =	vld [tilespmem:s23+$0x8460]  }
0x56: {  	v19 =	vsel vm6, s21, v5;
	v5 =	vsel vm2, s21, v7;
	v7 =	vsel vm4, s21, v3;
	v56 =	vld [tilespmem:s23+$0x8420]  }
0x57: {  	v3 =	vsel vm3, s21, v22;
	v20 =	vsel vm8, s21, v20;
	vm2 =	vgt.f32 v50, v17;
	v44 =	vld [tilespmem:s23+$0x8400]  }
0x58: {  	v22 =	vsel vm2, v50, v17;
	v23 =	vsel vm2, s21, v23;
	v17 =	vsel vm8, v38, v6;
	v57 =	vld [tilespmem:s23+$0x8440]  }
0x59: {  	v6 =	vsel vm0, s21, v32;
	vm0 =	vgt.f32 v30, v26;
	v55 =	vmul.f32 v43, v18;
	v58 =	vld [tilespmem:s23+$0x8470]  }
0x5a: {  	vm2 =	vgt.f32 v37, v24;
	v53 =	vmul.f32 v42, v18;
	v32 =	vsel vm0, s21, v29;
	v59 =	vld [tilespmem:s23+$0x8410]  }
0x5b: {  	v24 =	vsel vm2, v37, v24;
	v18 =	vsel vm2, s21, v31;
	v60 =	vld [tilespmem:s23+$0x8070];
	vm4 =	vgt.f32 v55, v27  }
0x5c: {  	v31 =	vsel vm1, s21, v28;
	vm3 =	vgt.f32 v53, v25;
	v45 =	vld [tilespmem:s23+$0x8050];
	v29 =	vsel vm4, s21, v35  }
0x5d: {  	v46 =	vld [tilespmem:s23+$0x8010];
	v35 =	vsel vm0, v30, v26;
	v39 =	vmul.f32 v52, v21;
	v26 =	vmul.f32 v44, v21  }
0x5e: {  	v30 =	vsel vm1, v33, v34;
	v33 =	vmul.f32 v56, v21;
	v62 =	vmul.f32 v57, v21  }
0x5f: {  	v25 =	vsel vm3, v53, v25;
	v63 =	vmul.f32 v54, v21;
	v34 =	vmul.f32 v58, v21  }
0x60: {  	v28 =	vsel vm3, s21, v36;
	v36 =	vmul.f32 v59, v21;
	v37 =	vmul.f32 v60, v21  }
0x61: {  	v61 =	vld [tilespmem:s23+$0x8000];
	v27 =	vsel vm4, v55, v27;
	v38 =	vmul.f32 v51, v21;
	v41 =	vmul.f32 v45, v21  }
0x62: {  	v47 =	vld [tilespmem:s23+$0x8060];
	v40 =	vmul.f32 v46, v21;
	vm0 =	vgt.f32 v39, v12;
	vm3 =	vgt.f32 v26, v10  }
0x63: {  	vm2 =	vgt.f32 v33, v4;
	vm8 =	vgt.f32 v62, v11;
	vm1 =	vgt.f32 v63, v13  }
0x64: {  	vm4 =	vgt.f32 v36, v15;
	vm5 =	vgt.f32 v38, v2;
	vm7 =	vgt.f32 v41, v16  }
0x65: {  	s21 =	simm.s32 $0x1F80;
	vm6 =	vgt.f32 v40, v30;
	v12 =	vsel vm0, v39, v12;
	v26 =	vsel vm3, v26, v10  }
0x66: {  	v42 =	vld [tilespmem:s23+$0x8020];
	v14 =	vsel vm3, s21, v14;
	vm3 =	vgt.f32 v34, v0;
	v10 =	vsel vm1, v63, v13  }
0x67: {  	v39 =	vmul.f32 v61, v21;
	v13 =	vsel vm4, v36, v15;
	v36 =	vmul.f32 v47, v21  }
0x68: {  	s25 =	simm.s32 $0x80;
	s26 =	simm.s32 $0x100;
	s24 =	simm.s32 $0x1F81;
	v43 =	vld [tilespmem:s23+$0x8040];
	v11 =	vsel vm8, v62, v11;
	v15 =	vsel vm5, s21, v8;
	v8 =	vsel vm8, s21, v9  }
.LBB2_4:
0x69: {  	s28 =	sand.u32 $0x7800, s26  }
0x6a: {  	s29 =	sand.u32 $0x380, s25;
	v9 =	vld [tilespmem:s23+$0x8030];
	vm8 =	vgt.f32 v37, v17;
	v2 =	vsel vm5, v38, v2;
	v0 =	vsel vm3, v34, v0;
	s22 =	sadd.s32 $0x80, s22;
	s30 =	smov.u32 s24  }
0x6b: {  	p0 =	sne.s32 s24, $0x1FFF;
	s24 =	sadd.s32 $0x1, s24;
	v38 =	vmul.f32 v42, v21;
	v4 =	vsel vm2, v33, v4;
	v1 =	vsel vm3, s21, v1;
	v34 =	vld [tilespmem:s22+$0x0];
	s23 =	sor.u32 s29, s28  }
0x6c: {  	v16 =	vsel vm7, v41, v16;
	v19 =	vsel vm7, s21, v19;
	v5 =	vsel vm2, s21, v5;
	v44 =	vld [tilespmem:s23+$0x8430]  }
0x6d: {  	v7 =	vsel vm4, s21, v7;
	v3 =	vsel vm1, s21, v3;
	vm2 =	vgt.f32 v38, v22;
	v41 =	vld [tilespmem:s23+$0x8410]  }
0x6e: {  	v22 =	vsel vm2, v38, v22;
	v23 =	vsel vm2, s21, v23;
	v33 =	vld [tilespmem:s23+$0x8450];
	v38 =	vmul.f32 v43, v21  }
0x6f: {  	v6 =	vsel vm0, s21, v6;
	v17 =	vsel vm8, v37, v17;
	v20 =	vsel vm8, s21, v20;
	v43 =	vld [tilespmem:s23+$0x8460]  }
0x70: {  	vm0 =	vgt.f32 v39, v35;
	vm1 =	vgt.f32 v36, v24;
	v9 =	vmul.f32 v9, v21;
	v37 =	vld [tilespmem:s23+$0x8420];
	v21 =	vmovc v34  }
0x71: {  	v18 =	vsel vm1, s21, v18;
	vm2 =	vgt.f32 v38, v25;
	v34 =	vld [tilespmem:s23+$0x8400]  }
0x72: {  	vm3 =	vgt.f32 v9, v27;
	v25 =	vsel vm2, v38, v25;
	v45 =	vld [tilespmem:s23+$0x8440]  }
0x73: {  	v32 =	vsel vm0, s21, v32;
	v27 =	vsel vm3, v9, v27;
	v38 =	vmul.f32 v33, v21;
	v46 =	vld [tilespmem:s23+$0x8470]  }
0x74: {  	v31 =	vsel vm6, s21, v31;
	v28 =	vsel vm2, s21, v28;
	v29 =	vsel vm3, s21, v29;
	s21 =	smov.u32 s30;
	v9 =	vld [tilespmem:s23+$0x8070]  }
0x75: {  	v30 =	vsel vm6, v40, v30;
	v35 =	vsel vm0, v39, v35;
	v24 =	vsel vm1, v36, v24;
	v47 =	vld [tilespmem:s23+$0x8050]  }
0x76: {  	v33 =	vmul.f32 v37, v21;
	vm0 =	vgt.f32 v38, v12;
	v42 =	vld [tilespmem:s23+$0x8020];
	v36 =	vmul.f32 v34, v21  }
0x77: {  	v40 =	vmul.f32 v43, v21;
	v12 =	vsel vm0, v38, v12;
	v39 =	vld [tilespmem:s23+$0x8000];
	v45 =	vmul.f32 v45, v21  }
0x78: {  	vm2 =	vgt.f32 v33, v4;
	v43 =	vld [tilespmem:s23+$0x8010];
	vm3 =	vgt.f32 v36, v26;
	v34 =	vmul.f32 v46, v21  }
0x79: {  	vm1 =	vgt.f32 v40, v10;
	v46 =	vld [tilespmem:s23+$0x8060];
	v26 =	vsel vm3, v36, v26;
	vm8 =	vgt.f32 v45, v11  }
0x7a: {  	v14 =	vsel vm3, s21, v14;
	v36 =	vmul.f32 v41, v21;
	vm3 =	vgt.f32 v34, v0  }
.Ltmp1:
0x7b: {  	v38 =	vmul.f32 v44, v21;
	v10 =	vsel vm1, v40, v10;
	v37 =	vmul.f32 v9, v21;
	(pc) =	sbr.rel @p0 .LBB2_4-.Ltmp1, $4  }
0x7c: {  	v41 =	vmul.f32 v47, v21;
	vm4 =	vgt.f32 v36, v13;
	v39 =	vmul.f32 v39, v21  }
0x7d: {  	vm5 =	vgt.f32 v38, v2;
	v13 =	vsel vm4, v36, v13;
	v40 =	vmul.f32 v43, v21  }
0x7e: {  	v11 =	vsel vm8, v45, v11;
	vm7 =	vgt.f32 v41, v16;
	v36 =	vmul.f32 v46, v21  }
0x7f: {  	s25 =	sadd.s32 $0x80, s25;
	s26 =	sadd.s32 $0x100, s26;
	v15 =	vsel vm5, s21, v15;
	v8 =	vsel vm8, s21, v8;
	vm6 =	vgt.f32 v40, v30;
	v43 =	vld [tilespmem:s23+$0x8040]  }
0x80: {  	v9 =	vld [tilespmem:s23+$0x8030];
	[tilespmem:$0x18080] =	vst v26  }
0x81: {  	[tilespmem:$0x18090] =	vst v13  }
0x82: {  	[tilespmem:$0x180C0] =	vst v11  }
0x83: {  	[tilespmem:$0x180D0] =	vst v12  }
0x84: {  	v30 =	vsel vm6, v40, v30;
	[tilespmem:$0x180E0] =	vst v10  }
0x85: {  	v51 =	vsel vm7, v41, v16;
	[tilespmem:$0x18010] =	vst v30  }
0x86: {  	v4 =	vsel vm2, v33, v4;
	[tilespmem:$0x18050] =	vst v51  }
0x87: {  	v2 =	vsel vm5, v38, v2;
	[tilespmem:$0x180A0] =	vst v4  }
0x88: {  	vm8 =	vgt.f32 v39, v35;
	v0 =	vsel vm3, v34, v0;
	[tilespmem:$0x180B0] =	vst v2  }
0x89: {  	vm14 =	vgt.f32 v36, v24;
	v35 =	vsel vm8, v39, v35;
	[tilespmem:$0x180F0] =	vst v0  }
0x8a: {  	v58 =	vcvt.s32.f32 v14;
	v53 =	vsel vm14, v36, v24;
	[tilespmem:$0x18000] =	vst v35  }
0x8b: {  	v59 =	vcvt.s32.f32 v15;
	[tilespmem:$0x18060] =	vst v53  }
0x8c: {  	v31 =	vsel vm6, s21, v31;
	v60 =	vcvt.s32.f32 v8;
	[tilespmem:$0x18180] =	vst v58  }
0x8d: {  	v19 =	vsel vm7, s21, v19;
	v31 =	vcvt.s32.f32 v31;
	[tilespmem:$0x181B0] =	vst v59  }
0x8e: {  	v7 =	vsel vm4, s21, v7;
	v52 =	vcvt.s32.f32 v19;
	[tilespmem:$0x181C0] =	vst v60  }
0x8f: {  	v5 =	vsel vm2, s21, v5;
	v7 =	vcvt.s32.f32 v7;
	[tilespmem:$0x18110] =	vst v31  }
0x90: {  	v61 =	vsel vm0, s21, v6;
	v5 =	vcvt.s32.f32 v5;
	[tilespmem:$0x18150] =	vst v52  }
0x91: {  	v3 =	vsel vm1, s21, v3;
	v62 =	vcvt.s32.f32 v61;
	[tilespmem:$0x18190] =	vst v7  }
0x92: {  	v1 =	vsel vm3, s21, v1;
	v63 =	vcvt.s32.f32 v3;
	[tilespmem:$0x181A0] =	vst v5  }
0x93: {  	v42 =	vmul.f32 v42, v21;
	v32 =	vsel vm8, s21, v32;
	v1 =	vcvt.s32.f32 v1;
	[tilespmem:$0x181D0] =	vst v62  }
0x94: {  	v32 =	vcvt.s32.f32 v32;
	[tilespmem:$0x181E0] =	vst v63  }
0x95: {  	v18 =	vsel vm14, s21, v18;
	vm15 =	vgt.f32 v42, v22;
	[tilespmem:$0x181F0] =	vst v1  }
0x96: {  	v54 =	vcvt.s32.f32 v18;
	v22 =	vsel vm15, v42, v22;
	[tilespmem:$0x18100] =	vst v32  }
0x97: {  	v23 =	vsel vm15, s21, v23;
	vm15 =	vgt.f32 v37, v17;
	v46 =	vmul.f32 v43, v21;
	[tilespmem:$0x18020] =	vst v22  }
0x98: {  	v23 =	vcvt.s32.f32 v23;
	v55 =	vsel vm15, s21, v20;
	v56 =	vsel vm15, v37, v17;
	[tilespmem:$0x18160] =	vst v54  }
0x99: {  	v9 =	vmul.f32 v9, v21;
	v57 =	vcvt.s32.f32 v55;
	[tilespmem:$0x18070] =	vst v56  }
0x9a: {  	vm13 =	vgt.f32 v46, v25;
	[tilespmem:$0x18120] =	vst v23  }
0x9b: {  	vm12 =	vgt.f32 v9, v27;
	v48 =	vsel vm13, s21, v28;
	v49 =	vsel vm13, v46, v25;
	[tilespmem:$0x18170] =	vst v57  }
0x9c: {  	v29 =	vsel vm12, s21, v29;
	v9 =	vsel vm12, v9, v27;
	v50 =	vcvt.s32.f32 v48;
	[tilespmem:$0x18040] =	vst v49  }
0x9d: {  	v47 =	vcvt.s32.f32 v29;
	[tilespmem:$0x18030] =	vst v9  }
0x9e: {  	[tilespmem:$0x18140] =	vst v50  }
0x9f: {  	[tilespmem:$0x18130] =	vst v47  }
0xa0: {  	[hbm4b:s7+s2] =	stream.linear.scatter [tilespmem:s17], [sflag:$0x5], $0x100, $0x38;
	[tilespmem:$0x18200] =	vst v63  }
0xa1: {  	s20 =	sadd.s32 $0x1, s20;
	_ =	swait.ge [sflag:s18], $0x100  }
0xa2: {  	p0 =	sne.s32 s20, s9;
	[sflag:s18] =	ssyncset.done $0x0  }
.Ltmp2:
0xa3: {  	[sflag:s18] =	ssyncadd.s32 $0xFFFFFF00;
	(pc) =	sbr.rel @p0 .LBB2_1-.Ltmp2, $4  }
0xa4: {  	[hbm4b:s8+s2] =	stream.linear.scatter [tilespmem:s19], [sflag:$0x5], $0x100, $0x38;
	[tilespmem:$0x18200] =	vst v63  }
0xa5: {  	_ =	swait.ge [sflag:s18], $0x100  }
0xa6: {  	[sflag:s18] =	ssyncset.done $0x0  }
0xa7: {  	[sflag:s18] =	ssyncadd.s32 $0xFFFFFF00  }
0xa8: {  	_ =	sfence.sel $0x180000  }
0xa9: {  	[bflag:$0x0] =	sbarrier.arrive $0xFFFF  }
0xaa: {  	p0 =	sne.s32 s1, $0x0;
	_ =	strace $0x90000047  }
0xab: {  	s0 =	sadd.s32 @!p0 $0x100000, s0;
	[bflag:$0x2] =	sbarrier.arrive $0xFFFF  }
0xac: {  	[sflag:s0] =	ssyncadd.tile.s32 @!p0 $0x1;
	_ =	shalt  }
.Lfunc_end2:
_tile_overlayer_lowered:
.L_overlay_start_2:
0xad: {  	(tag) =	ssettag $0x2  }
0xae: {  	s0 =	rddreg [dreg:$0x0];
	s2 =	stileid.u32  }
0xaf: {  	s1 =	rddreg [dreg:$0x1];
	p0 =	sne.s32 s2, $0x0  }
0xb0: {  	s3 =	rddreg [dreg:$0x2];
	[bflag:$0x3] =	sbarrier.arrive $0xFFFF;
	s2 =	simm.s32 @!p0 $0x1C05  }
0xb1: {  	[timem:s3], [sflag:s2] =	dma.local @!p0 [hbm:s0], s1  }
0xb2: {  	s0 =	simm.s32 @!p0 $0x5  }
0xb3: {  	_ =	swait.ge @!p0 [sflag:s0], s1  }
0xb4: {  	s1 =	ssub.s32 @!p0 $0x0, s1;
	[sflag:s0] =	ssyncset.done @!p0 $0x0  }
0xb5: {  	[sflag:s0] =	ssyncadd.s32 @!p0 s1  }
0xb6: {  	[bflag:$0x3] =	sbarrier.arrive $0xFFFF  }
0xb7: {  	_ =	shalt  }

</sc_bundles>
